<compile_context>
chip_gen: v7x
topology: tpu7x:2x2x1
jax: 0.10.2.dev20260603
libtpu: 0.0.44.dev20260713+nightly
codegen_flags: <defaults>
</compile_context>

<pallas_src>
import functools

import jax
import jax.numpy as jnp
from jax import lax
from jax.experimental import pallas as pl
from jax.experimental.pallas import tpu as pltpu
from jax.experimental.pallas import tpu_sc as plsc

B, S, D, H, E, DFF = 2, 2048, 768, 12, 64, 3072
DH = D // H
DHP = 128
T = B * S
CAP = T // E
TBLK = 512
QBLK = 256
NTB = T // TBLK
NQB = S // QBLK
DISP_ROWS = E * CAP + CAP

_SC_TOK = 128


def _ln_block(xb, g, b):
    m = jnp.mean(xb, axis=1, keepdims=True)
    c = xb - m
    v = jnp.mean(c * c, axis=1, keepdims=True)
    return c * jax.lax.rsqrt(v + 1e-5) * g + b


def _qkv_kernel(x_ref, g_ref, b_ref, w_ref, wb_ref, qkv_ref):
    h = _ln_block(x_ref[...], g_ref[...], b_ref[...]).astype(jnp.bfloat16)
    qkv = lax.dot_general(h, w_ref[...], (((1,), (1,)), ((), ())),
                          preferred_element_type=jnp.float32)
    qkv_ref[...] = (qkv + wb_ref[...]).astype(jnp.bfloat16)


def _qkv_call(x2d, ln1_g, ln1_b, in_proj_w, in_proj_b, interpret=False):
    qscale = jnp.concatenate([
        jnp.full((H * DHP,), 0.125 * 1.4426950408889634, jnp.float32),
        jnp.ones((2 * H * DHP,), jnp.float32)])
    w_pad = jnp.pad(in_proj_w.reshape(3 * H, DH, D), ((0, 0), (0, DHP - DH), (0, 0))
                    ).reshape(3 * H * DHP, D)
    w_pad = (w_pad * qscale[:, None]).astype(jnp.bfloat16)
    b_pad = jnp.pad(in_proj_b.reshape(3 * H, DH), ((0, 0), (0, DHP - DH))
                    ).reshape(1, 3 * H * DHP) * qscale[None, :]
    return pl.pallas_call(
        _qkv_kernel,
        grid=(NTB,),
        in_specs=[
            pl.BlockSpec((TBLK, D), lambda i: (i, 0)),
            pl.BlockSpec((1, D), lambda i: (0, 0)),
            pl.BlockSpec((1, D), lambda i: (0, 0)),
            pl.BlockSpec((3 * H * DHP, D), lambda i: (0, 0)),
            pl.BlockSpec((1, 3 * H * DHP), lambda i: (0, 0)),
        ],
        out_specs=pl.BlockSpec((TBLK, 3 * H * DHP), lambda i: (i, 0)),
        out_shape=jax.ShapeDtypeStruct((T, 3 * H * DHP), jnp.bfloat16),
        interpret=interpret,
    )(x2d, ln1_g.reshape(1, D), ln1_b.reshape(1, D), w_pad, b_pad)


def _attn_kernel(q_ref, k_ref, v_ref, o_ref):
    s = lax.dot_general(q_ref[...], k_ref[...], (((1,), (1,)), ((), ())),
                        preferred_element_type=jnp.float32)
    m = jnp.max(s, axis=1, keepdims=True)
    p = jnp.exp2(s - m)
    r = 1.0 / jnp.sum(p, axis=1, keepdims=True)
    o = jnp.dot(p.astype(jnp.bfloat16), v_ref[...],
                preferred_element_type=jnp.float32)
    o_ref[...] = (o * r).astype(jnp.bfloat16)


def _attn_call(qkv, interpret=False):
    return pl.pallas_call(
        _attn_kernel,
        grid=(B * H, NQB),
        in_specs=[
            pl.BlockSpec((QBLK, DHP), lambda bh, qi: ((bh // H) * NQB + qi, bh % H)),
            pl.BlockSpec((S, DHP), lambda bh, qi: (bh // H, H + bh % H)),
            pl.BlockSpec((S, DHP), lambda bh, qi: (bh // H, 2 * H + bh % H)),
        ],
        out_specs=pl.BlockSpec((QBLK, DHP), lambda bh, qi: ((bh // H) * NQB + qi, bh % H)),
        out_shape=jax.ShapeDtypeStruct((T, H * DHP), jnp.bfloat16),
        interpret=interpret,
    )(qkv, qkv, qkv)


def _post_kernel(ao_ref, x_ref, wo_ref, bo_ref, g2_ref, b2_ref, gw_ref,
                 x2_ref, tok_ref, dsts_ref, dstg_ref, gate_ref, cnt_ref):
    i = pl.program_id(0)
    ao = lax.dot_general(ao_ref[...], wo_ref[...], (((1,), (1,)), ((), ())),
                         preferred_element_type=jnp.float32)
    x2 = x_ref[...] + ao + bo_ref[...]
    x2_ref[...] = x2
    h = _ln_block(x2, g2_ref[...], b2_ref[...])
    tok_ref[...] = h
    logits = jnp.dot(h, gw_ref[...], preferred_element_type=jnp.float32)

    m = jnp.max(logits, axis=1, keepdims=True)
    ex = jnp.exp(logits - m)
    sm = ex / jnp.sum(ex, axis=1, keepdims=True)

    lane = lax.broadcasted_iota(jnp.int32, (TBLK, E), 1)
    idx = jnp.min(jnp.where(logits == m, lane, E), axis=1, keepdims=True)
    onehot = (lane == idx).astype(jnp.float32)
    gate_raw = jnp.sum(sm * onehot, axis=1, keepdims=True)

    @pl.when(i == 0)
    def _():
        cnt_ref[...] = jnp.zeros((1, E), jnp.float32)

    base = cnt_ref[...]
    r = lax.broadcasted_iota(jnp.int32, (TBLK, TBLK), 0)
    c = lax.broadcasted_iota(jnp.int32, (TBLK, TBLK), 1)
    tril = (r > c).astype(jnp.float32)
    excl = jnp.dot(tril, onehot, preferred_element_type=jnp.float32)
    loc = jnp.sum((excl + base) * onehot, axis=1, keepdims=True).astype(jnp.int32)
    cnt_ref[...] = base + jnp.sum(onehot, axis=0, keepdims=True)

    keep = loc < CAP
    loc_c = jnp.minimum(loc, CAP - 1)
    dest_g = idx * CAP + loc_c
    dsts_ref[...] = jnp.where(keep, dest_g, E * CAP)
    dstg_ref[...] = dest_g
    gate_ref[...] = jnp.where(keep, gate_raw, 0.0)


def _post_call(ao, x2d, out_proj_w, out_proj_b, ln2_g, ln2_b, gate_w,
               interpret=False):
    blk2 = pl.BlockSpec((TBLK, 1), lambda i: (i, 0))
    wo_pad = jnp.pad(out_proj_w.reshape(D, H, DH), ((0, 0), (0, 0), (0, DHP - DH))
                     ).reshape(D, H * DHP).astype(jnp.bfloat16)
    return pl.pallas_call(
        _post_kernel,
        grid=(NTB,),
        in_specs=[
            pl.BlockSpec((TBLK, H * DHP), lambda i: (i, 0)),
            pl.BlockSpec((TBLK, D), lambda i: (i, 0)),
            pl.BlockSpec((D, H * DHP), lambda i: (0, 0)),
            pl.BlockSpec((1, D), lambda i: (0, 0)),
            pl.BlockSpec((1, D), lambda i: (0, 0)),
            pl.BlockSpec((1, D), lambda i: (0, 0)),
            pl.BlockSpec((D, E), lambda i: (0, 0)),
        ],
        out_specs=(
            pl.BlockSpec((TBLK, D), lambda i: (i, 0)),
            pl.BlockSpec((TBLK, D), lambda i: (i, 0)),
            blk2, blk2, blk2,
        ),
        out_shape=(
            jax.ShapeDtypeStruct((T, D), jnp.float32),
            jax.ShapeDtypeStruct((T, D), jnp.float32),
            jax.ShapeDtypeStruct((T, 1), jnp.int32),
            jax.ShapeDtypeStruct((T, 1), jnp.int32),
            jax.ShapeDtypeStruct((T, 1), jnp.float32),
        ),
        scratch_shapes=[pltpu.VMEM((1, E), jnp.float32)],
        interpret=interpret,
    )(ao, x2d, wo_pad, out_proj_b.reshape(1, D), ln2_g.reshape(1, D),
      ln2_b.reshape(1, D), gate_w)


def _sc_worker_id():
    return lax.axis_index("s") * 2 + lax.axis_index("c")


def _sc_dispatch_body(tok_hbm, dst_hbm, out_hbm, idx_v, rows_v, sem):
    base = _sc_worker_id() * _SC_TOK
    pltpu.sync_copy(dst_hbm.at[pl.ds(base, _SC_TOK)], idx_v)
    pltpu.sync_copy(tok_hbm.at[pl.ds(base, _SC_TOK)], rows_v)
    pltpu.async_copy(rows_v, out_hbm.at[idx_v], sem).wait()


def _sc_dispatch(tokens, dest_s):
    mesh = plsc.VectorSubcoreMesh(core_axis_name="c", subcore_axis_name="s")
    return pl.kernel(
        _sc_dispatch_body,
        out_type=jax.ShapeDtypeStruct((DISP_ROWS, D), jnp.float32),
        mesh=mesh,
        scratch_types=[
            pltpu.VMEM((_SC_TOK,), jnp.int32),
            pltpu.VMEM((_SC_TOK, D), jnp.float32),
            pltpu.SemaphoreType.DMA,
        ],
    )(tokens, dest_s)


def _sc_combine_body(eout_hbm, dst_hbm, out_hbm, idx_v, rows_v, sem):
    base = _sc_worker_id() * _SC_TOK
    pltpu.sync_copy(dst_hbm.at[pl.ds(base, _SC_TOK)], idx_v)
    pltpu.async_copy(eout_hbm.at[idx_v], rows_v, sem).wait()
    pltpu.sync_copy(rows_v, out_hbm.at[pl.ds(base, _SC_TOK)])


def _sc_combine(eout2d, dest_g):
    mesh = plsc.VectorSubcoreMesh(core_axis_name="c", subcore_axis_name="s")
    return pl.kernel(
        _sc_combine_body,
        out_type=jax.ShapeDtypeStruct((T, D), jnp.float32),
        mesh=mesh,
        scratch_types=[
            pltpu.VMEM((_SC_TOK,), jnp.int32),
            pltpu.VMEM((_SC_TOK, D), jnp.float32),
            pltpu.SemaphoreType.DMA,
        ],
    )(eout2d, dest_g)


NFS = 2
DFH = DFF // NFS


def _ffn_kernel(disp_ref, w1_ref, b1_ref, w2_ref, b2_ref, out_ref):
    j = pl.program_id(1)
    h1 = jnp.dot(disp_ref[...], w1_ref[0], preferred_element_type=jnp.float32)
    h1 = h1 + b1_ref[0]
    h1 = 0.5 * h1 * (1.0 + lax.erf(h1 * 0.7071067811865476))
    part = jnp.dot(h1, w2_ref[0], preferred_element_type=jnp.float32)

    @pl.when(j == 0)
    def _():
        out_ref[0] = part + b2_ref[0]

    @pl.when(j > 0)
    def _():
        out_ref[0] += part


def _ffn_call(disp, w1, b1, w2, b2, interpret=False):
    return pl.pallas_call(
        _ffn_kernel,
        grid=(E, NFS),
        in_specs=[
            pl.BlockSpec((CAP, D), lambda e, j: (e, 0)),
            pl.BlockSpec((1, D, DFH), lambda e, j: (e, 0, j)),
            pl.BlockSpec((1, 1, DFH), lambda e, j: (e, 0, j)),
            pl.BlockSpec((1, DFH, D), lambda e, j: (e, j, 0)),
            pl.BlockSpec((1, 1, D), lambda e, j: (e, 0, 0)),
        ],
        out_specs=pl.BlockSpec((1, CAP, D), lambda e, j: (e, 0, 0)),
        out_shape=jax.ShapeDtypeStruct((E, CAP, D), jnp.float32),
        interpret=interpret,
    )(disp, w1, b1.reshape(E, 1, DFF), w2, b2.reshape(E, 1, D))


def _epi_kernel(x2_ref, gat_ref, gv_ref, o_ref):
    o_ref[...] = x2_ref[...] + gat_ref[...] * gv_ref[...]


def _epi_call(x2, gathered, gate_val, interpret=False):
    return pl.pallas_call(
        _epi_kernel,
        grid=(NTB,),
        in_specs=[
            pl.BlockSpec((TBLK, D), lambda i: (i, 0)),
            pl.BlockSpec((TBLK, D), lambda i: (i, 0)),
            pl.BlockSpec((TBLK, 1), lambda i: (i, 0)),
        ],
        out_specs=pl.BlockSpec((TBLK, D), lambda i: (i, 0)),
        out_shape=jax.ShapeDtypeStruct((T, D), jnp.float32),
        interpret=interpret,
    )(x2, gathered, gate_val)


def kernel(x, ln1_g, ln1_b, in_proj_w, in_proj_b, out_proj_w, out_proj_b,
           ln2_g, ln2_b, gate_w, w1, b1, w2, b2):
    x2d = x.reshape(T, D)
    qkv = _qkv_call(x2d, ln1_g, ln1_b, in_proj_w, in_proj_b)
    ao = _attn_call(qkv)
    x2, tokens, dest_s, dest_g, gate_val = _post_call(
        ao, x2d, out_proj_w, out_proj_b, ln2_g, ln2_b, gate_w)
    disp = _sc_dispatch(tokens, dest_s.reshape(T))
    eout = _ffn_call(disp, w1, b1, w2, b2)
    gathered = _sc_combine(eout.reshape(T, D), dest_g.reshape(T))
    out = _epi_call(x2, gathered, gate_val)
    return out.reshape(B, S, D)

# --- scband reference (transcript-rebuilt; emitter-appended) ---
"""Pipeline reference for scband-transformer-block-16174846837179 (READ-ONLY COPY).

The authoritative reference and input builder live on the scoring server;
editing this copy changes nothing except your own understanding.
"""

import jax, jax.numpy as jnp
import numpy as np

B, S, D, H, E, DFF = 2, 2048, 768, 12, 64, 3072


def _ln(x, g, b):
    m = jnp.mean(x, axis=-1, keepdims=True)
    v = jnp.var(x, axis=-1, keepdims=True)
    return (x - m) / jnp.sqrt(v + 1e-5) * g + b


def setup_inputs(seed: int = 0):
    key = jax.random.key(seed)
    ks = jax.random.split(key, 8)
    return {
        "x": jax.random.normal(ks[0], (B, S, D), dtype=jnp.float32),
        "ln1_g": jnp.ones((D,), jnp.float32),
        "ln1_b": jnp.zeros((D,), jnp.float32),
        "in_proj_w": jax.random.normal(ks[1], (3 * D, D), dtype=jnp.float32) * 0.02,
        "in_proj_b": jnp.zeros((3 * D,), jnp.float32),
        "out_proj_w": jax.random.normal(ks[2], (D, D), dtype=jnp.float32) * 0.02,
        "out_proj_b": jnp.zeros((D,), jnp.float32),
        "ln2_g": jnp.ones((D,), jnp.float32),
        "ln2_b": jnp.zeros((D,), jnp.float32),
        "gate_w": jax.random.normal(ks[3], (D, E), dtype=jnp.float32) * 0.02,
        "w1": jax.random.normal(ks[4], (E, D, DFF), dtype=jnp.float32) * 0.02,
        "b1": jnp.zeros((E, DFF), jnp.float32),
        "w2": jax.random.normal(ks[5], (E, DFF, D), dtype=jnp.float32) * 0.02,
        "b2": jnp.zeros((E, D), jnp.float32),
    }


def _block(x, ln1_g, ln1_b, in_proj_w, in_proj_b, out_proj_w, out_proj_b, ln2_g, ln2_b, gate_w, w1, b1, w2, b2):
    dh = D // H
    # --- self attention (torch nn.MultiheadAttention, batch_first) ---
    h = _ln(x, ln1_g, ln1_b)
    qkv = h @ in_proj_w.T + in_proj_b
    q, k, v = jnp.split(qkv, 3, axis=-1)

    def heads(t):
        return t.reshape(B, S, H, dh).transpose(0, 2, 1, 3)

    q, k, v = heads(q), heads(k), heads(v)
    att = jax.nn.softmax(jnp.einsum('bhqd,bhkd->bhqk', q, k) / np.sqrt(dh), axis=-1)
    ao = jnp.einsum('bhqk,bhkd->bhqd', att, v).transpose(0, 2, 1, 3).reshape(B, S, D)
    ao = ao @ out_proj_w.T + out_proj_b
    x = x + ao
    # --- MoE, top-1 gating, capacity_factor=1.0 ---
    h = _ln(x, ln2_g, ln2_b)
    tokens = h.reshape(-1, D)
    T = tokens.shape[0]
    cap = T // E
    logits = tokens @ gate_w
    gates = jax.nn.softmax(logits, axis=-1)
    idx = jnp.argmax(logits, axis=-1)
    mask1 = jax.nn.one_hot(idx, E, dtype=jnp.float32)
    locs = jnp.cumsum(mask1, axis=0) - 1.0
    loc_s = jnp.sum(locs * mask1, axis=1).astype(jnp.int32)
    keep = (loc_s < cap).astype(jnp.float32)
    gate_val = jnp.sum(gates * mask1, axis=1) * keep
    loc_c = jnp.minimum(loc_s, cap - 1)
    # scatter tokens into per-expert capacity buffers (dropped tokens zeroed)
    disp = jnp.zeros((E, cap, D), jnp.float32).at[idx, loc_c].add(tokens * keep[:, None])
    h1 = jax.nn.gelu(jnp.einsum('ecd,edf->ecf', disp, w1) + b1[:, None, :], approximate=False)
    eout = jnp.einsum('ecf,efd->ecd', h1, w2) + b2[:, None, :]
    # gather back and combine with gate prob
    out_tok = eout[idx, loc_c] * gate_val[:, None]
    return x + out_tok.reshape(B, S, D)


def reference(x, ln1_g, ln1_b, in_proj_w, in_proj_b, out_proj_w, out_proj_b, ln2_g, ln2_b, gate_w, w1, b1, w2, b2):
    return _block(x, ln1_g, ln1_b, in_proj_w, in_proj_b, out_proj_w, out_proj_b, ln2_g, ln2_b, gate_w, w1, b1, w2, b2)

if __name__ == "__main__":
    import jax
    _d = setup_inputs()
    print(jax.jit(kernel)(*tuple(_d.values())))

</pallas_src>

<mosaic_0001>
#map = affine_map<(d0, d1) -> (0, 0)>
#map1 = affine_map<(d0, d1) -> (0)>
module attributes {stable_mosaic.version = 14 : i64} {
  func.func @_sc_combine_body(%arg0: i32, %arg1: i32, %arg2: memref<4096x768xf32, #tpu.memory_space<hbm>>, %arg3: memref<4096xi32, #tpu.memory_space<hbm>>, %arg4: memref<4096x768xf32, #tpu.memory_space<hbm>>, %arg5: memref<128xi32, #tpu.memory_space<vmem>>, %arg6: memref<128x768xf32, #tpu.memory_space<vmem>>, %arg7: memref<!tpu.dma_semaphore, #tpu.memory_space<semaphore_mem>>) attributes {dimension_semantics = [#tpu.dimension_semantics<core_parallel>, #tpu.dimension_semantics<subcore_parallel>], iteration_bounds = array<i64: 2, 16>, scalar_prefetch = 0 : i64, scratch_operands = 3 : i64, tpu.core_type = #tpu.core_type<sc_vector_subcore>, window_params = [{transform_indices = #map}, {transform_indices = #map1}, {transform_indices = #map}]} {
    %mul3A = arith.constant 2 : i32
    %mul3A_0 = arith.muli %arg1, %mul3A : i32
    %add3A = arith.addi %mul3A_0, %arg0 : i32
    %mul3A_1 = arith.constant 128 : i32
    %mul3A_2 = arith.muli %add3A, %mul3A_1 : i32
    "tpu.region"() ({
      %run_scoped3A = tpu.sem_alloc : memref<!tpu.dma_semaphore, #tpu.memory_space<semaphore_mem>>
      %dma_start3A_7 = tpu.memref_slice %arg3[%mul3A_2] : memref<4096xi32, #tpu.memory_space<hbm>> -> memref<128xi32, #tpu.memory_space<hbm>>
      %dma_start3A_8 = tpu.memref_slice %arg3[%mul3A_2] : memref<4096xi32, #tpu.memory_space<hbm>> -> memref<128xi32, #tpu.memory_space<hbm>>
      tpu.enqueue_dma source(%dma_start3A_8 : memref<128xi32, #tpu.memory_space<hbm>>) target(%arg5 : memref<128xi32, #tpu.memory_space<vmem>>) target_semaphore(%run_scoped3A : memref<!tpu.dma_semaphore, #tpu.memory_space<semaphore_mem>>)
      %dma_wait3A_9 = tpu.memref_slice %arg3[%mul3A_2] : memref<4096xi32, #tpu.memory_space<hbm>> -> memref<128xi32, #tpu.memory_space<hbm>>
      %dma_wait3A_10 = tpu.memref_slice %arg3[%mul3A_2] : memref<4096xi32, #tpu.memory_space<hbm>> -> memref<128xi32, #tpu.memory_space<hbm>>
      tpu.wait_dma2 semaphore(%run_scoped3A : memref<!tpu.dma_semaphore, #tpu.memory_space<semaphore_mem>>) src(%dma_wait3A_10 : memref<128xi32, #tpu.memory_space<hbm>>) dst(%arg5 : memref<128xi32, #tpu.memory_space<vmem>>)
      tpu.yield
    }) : () -> ()
    %dma_start3A = arith.constant 0 : i32
    %dma_start3A_3 = arith.constant 0 : i32
    %dma_start3A_4 = tpu.memref_slice %arg2[%dma_start3A, %dma_start3A_3] : memref<4096x768xf32, #tpu.memory_space<hbm>> -> memref<4096x768xf32, #tpu.memory_space<hbm>>
    tpu.enqueue_indirect_dma source(%dma_start3A_4 : memref<4096x768xf32, #tpu.memory_space<hbm>>) target(%arg6 : memref<128x768xf32, #tpu.memory_space<vmem>>) offsets(%arg5 : memref<128xi32, #tpu.memory_space<vmem>>) semaphore(%arg7 : memref<!tpu.dma_semaphore, #tpu.memory_space<semaphore_mem>>)
    %dma_wait3A = arith.constant 0 : i32
    %dma_wait3A_5 = arith.constant 0 : i32
    %dma_wait3A_6 = tpu.memref_slice %arg2[%dma_wait3A, %dma_wait3A_5] : memref<4096x768xf32, #tpu.memory_space<hbm>> -> memref<4096x768xf32, #tpu.memory_space<hbm>>
    tpu.wait_indirect_dma semaphore(%arg7 : memref<!tpu.dma_semaphore, #tpu.memory_space<semaphore_mem>>) src(%dma_wait3A_6 : memref<4096x768xf32, #tpu.memory_space<hbm>>) dst(%arg6 : memref<128x768xf32, #tpu.memory_space<vmem>>)
    "tpu.region"() ({
      %run_scoped3A = tpu.sem_alloc : memref<!tpu.dma_semaphore, #tpu.memory_space<semaphore_mem>>
      %dma_start3A_7 = arith.constant 0 : i32
      %dma_start3A_8 = tpu.memref_slice %arg4[%mul3A_2, %dma_start3A_7] : memref<4096x768xf32, #tpu.memory_space<hbm>> -> memref<128x768xf32, #tpu.memory_space<hbm>>
      %dma_start3A_9 = arith.constant 0 : i32
      %dma_start3A_10 = tpu.memref_slice %arg4[%mul3A_2, %dma_start3A_9] : memref<4096x768xf32, #tpu.memory_space<hbm>> -> memref<128x768xf32, #tpu.memory_space<hbm>>
      tpu.enqueue_dma source(%arg6 : memref<128x768xf32, #tpu.memory_space<vmem>>) target(%dma_start3A_10 : memref<128x768xf32, #tpu.memory_space<hbm>>) target_semaphore(%run_scoped3A : memref<!tpu.dma_semaphore, #tpu.memory_space<semaphore_mem>>)
      %dma_wait3A_11 = arith.constant 0 : i32
      %dma_wait3A_12 = tpu.memref_slice %arg4[%mul3A_2, %dma_wait3A_11] : memref<4096x768xf32, #tpu.memory_space<hbm>> -> memref<128x768xf32, #tpu.memory_space<hbm>>
      %dma_wait3A_13 = arith.constant 0 : i32
      %dma_wait3A_14 = tpu.memref_slice %arg4[%mul3A_2, %dma_wait3A_13] : memref<4096x768xf32, #tpu.memory_space<hbm>> -> memref<128x768xf32, #tpu.memory_space<hbm>>
      tpu.wait_dma2 semaphore(%run_scoped3A : memref<!tpu.dma_semaphore, #tpu.memory_space<semaphore_mem>>) src(%arg6 : memref<128x768xf32, #tpu.memory_space<vmem>>) dst(%dma_wait3A_14 : memref<128x768xf32, #tpu.memory_space<hbm>>)
      tpu.yield
    }) : () -> ()
    return
  }
}

#map = affine_map<(d0, d1) -> (0, 0)>
#map1 = affine_map<(d0, d1) -> (0)>
module attributes {stable_mosaic.version = 14 : i64} {
  func.func @_sc_dispatch_body(%arg0: i32, %arg1: i32, %arg2: memref<4096x768xf32, #tpu.memory_space<hbm>>, %arg3: memref<4096xi32, #tpu.memory_space<hbm>>, %arg4: memref<4160x768xf32, #tpu.memory_space<hbm>>, %arg5: memref<128xi32, #tpu.memory_space<vmem>>, %arg6: memref<128x768xf32, #tpu.memory_space<vmem>>, %arg7: memref<!tpu.dma_semaphore, #tpu.memory_space<semaphore_mem>>) attributes {dimension_semantics = [#tpu.dimension_semantics<core_parallel>, #tpu.dimension_semantics<subcore_parallel>], iteration_bounds = array<i64: 2, 16>, scalar_prefetch = 0 : i64, scratch_operands = 3 : i64, tpu.core_type = #tpu.core_type<sc_vector_subcore>, window_params = [{transform_indices = #map}, {transform_indices = #map1}, {transform_indices = #map}]} {
    %mul3A = arith.constant 2 : i32
    %mul3A_0 = arith.muli %arg1, %mul3A : i32
    %add3A = arith.addi %mul3A_0, %arg0 : i32
    %mul3A_1 = arith.constant 128 : i32
    %mul3A_2 = arith.muli %add3A, %mul3A_1 : i32
    "tpu.region"() ({
      %run_scoped3A = tpu.sem_alloc : memref<!tpu.dma_semaphore, #tpu.memory_space<semaphore_mem>>
      %dma_start3A_7 = tpu.memref_slice %arg3[%mul3A_2] : memref<4096xi32, #tpu.memory_space<hbm>> -> memref<128xi32, #tpu.memory_space<hbm>>
      %dma_start3A_8 = tpu.memref_slice %arg3[%mul3A_2] : memref<4096xi32, #tpu.memory_space<hbm>> -> memref<128xi32, #tpu.memory_space<hbm>>
      tpu.enqueue_dma source(%dma_start3A_8 : memref<128xi32, #tpu.memory_space<hbm>>) target(%arg5 : memref<128xi32, #tpu.memory_space<vmem>>) target_semaphore(%run_scoped3A : memref<!tpu.dma_semaphore, #tpu.memory_space<semaphore_mem>>)
      %dma_wait3A_9 = tpu.memref_slice %arg3[%mul3A_2] : memref<4096xi32, #tpu.memory_space<hbm>> -> memref<128xi32, #tpu.memory_space<hbm>>
      %dma_wait3A_10 = tpu.memref_slice %arg3[%mul3A_2] : memref<4096xi32, #tpu.memory_space<hbm>> -> memref<128xi32, #tpu.memory_space<hbm>>
      tpu.wait_dma2 semaphore(%run_scoped3A : memref<!tpu.dma_semaphore, #tpu.memory_space<semaphore_mem>>) src(%dma_wait3A_10 : memref<128xi32, #tpu.memory_space<hbm>>) dst(%arg5 : memref<128xi32, #tpu.memory_space<vmem>>)
      tpu.yield
    }) : () -> ()
    "tpu.region"() ({
      %run_scoped3A = tpu.sem_alloc : memref<!tpu.dma_semaphore, #tpu.memory_space<semaphore_mem>>
      %dma_start3A_7 = arith.constant 0 : i32
      %dma_start3A_8 = tpu.memref_slice %arg2[%mul3A_2, %dma_start3A_7] : memref<4096x768xf32, #tpu.memory_space<hbm>> -> memref<128x768xf32, #tpu.memory_space<hbm>>
      %dma_start3A_9 = arith.constant 0 : i32
      %dma_start3A_10 = tpu.memref_slice %arg2[%mul3A_2, %dma_start3A_9] : memref<4096x768xf32, #tpu.memory_space<hbm>> -> memref<128x768xf32, #tpu.memory_space<hbm>>
      tpu.enqueue_dma source(%dma_start3A_10 : memref<128x768xf32, #tpu.memory_space<hbm>>) target(%arg6 : memref<128x768xf32, #tpu.memory_space<vmem>>) target_semaphore(%run_scoped3A : memref<!tpu.dma_semaphore, #tpu.memory_space<semaphore_mem>>)
      %dma_wait3A_11 = arith.constant 0 : i32
      %dma_wait3A_12 = tpu.memref_slice %arg2[%mul3A_2, %dma_wait3A_11] : memref<4096x768xf32, #tpu.memory_space<hbm>> -> memref<128x768xf32, #tpu.memory_space<hbm>>
      %dma_wait3A_13 = arith.constant 0 : i32
      %dma_wait3A_14 = tpu.memref_slice %arg2[%mul3A_2, %dma_wait3A_13] : memref<4096x768xf32, #tpu.memory_space<hbm>> -> memref<128x768xf32, #tpu.memory_space<hbm>>
      tpu.wait_dma2 semaphore(%run_scoped3A : memref<!tpu.dma_semaphore, #tpu.memory_space<semaphore_mem>>) src(%dma_wait3A_14 : memref<128x768xf32, #tpu.memory_space<hbm>>) dst(%arg6 : memref<128x768xf32, #tpu.memory_space<vmem>>)
      tpu.yield
    }) : () -> ()
    %dma_start3A = arith.constant 0 : i32
    %dma_start3A_3 = arith.constant 0 : i32
    %dma_start3A_4 = tpu.memref_slice %arg4[%dma_start3A, %dma_start3A_3] : memref<4160x768xf32, #tpu.memory_space<hbm>> -> memref<4160x768xf32, #tpu.memory_space<hbm>>
    tpu.enqueue_indirect_dma source(%arg6 : memref<128x768xf32, #tpu.memory_space<vmem>>) target(%dma_start3A_4 : memref<4160x768xf32, #tpu.memory_space<hbm>>) offsets(%arg5 : memref<128xi32, #tpu.memory_space<vmem>>) semaphore(%arg7 : memref<!tpu.dma_semaphore, #tpu.memory_space<semaphore_mem>>)
    %dma_wait3A = arith.constant 0 : i32
    %dma_wait3A_5 = arith.constant 0 : i32
    %dma_wait3A_6 = tpu.memref_slice %arg4[%dma_wait3A, %dma_wait3A_5] : memref<4160x768xf32, #tpu.memory_space<hbm>> -> memref<4160x768xf32, #tpu.memory_space<hbm>>
    tpu.wait_indirect_dma semaphore(%arg7 : memref<!tpu.dma_semaphore, #tpu.memory_space<semaphore_mem>>) src(%arg6 : memref<128x768xf32, #tpu.memory_space<vmem>>) dst(%dma_wait3A_6 : memref<4160x768xf32, #tpu.memory_space<hbm>>)
    return
  }
}

module attributes {stable_mosaic.version = 14 : i64} {
  func.func @_qkv_kernel(%arg0: i32, %arg1: memref<512x768xf32, #tpu.memory_space<vmem>>, %arg2: memref<1x768xf32, #tpu.memory_space<vmem>>, %arg3: memref<1x768xf32, #tpu.memory_space<vmem>>, %arg4: memref<4608x768xbf16, #tpu.memory_space<vmem>>, %arg5: memref<1x4608xf32, #tpu.memory_space<vmem>>, %arg6: memref<512x4608xbf16, #tpu.memory_space<vmem>>) attributes {dimension_semantics = [#tpu.dimension_semantics<arbitrary>], iteration_bounds = array<i64: 8>, scalar_prefetch = 0 : i64, scratch_operands = 0 : i64, tpu.core_type = #tpu.core_type<tc>, window_params = [{transform_indices = @transform_0, window_bounds = array<i64: 512, 768>}, {pipeline_mode = #tpu.pipeline_mode<synchronous>, transform_indices = @transform_1, window_bounds = array<i64: 1, 768>}, {pipeline_mode = #tpu.pipeline_mode<synchronous>, transform_indices = @transform_2, window_bounds = array<i64: 1, 768>}, {pipeline_mode = #tpu.pipeline_mode<synchronous>, transform_indices = @transform_3, window_bounds = array<i64: 4608, 768>}, {pipeline_mode = #tpu.pipeline_mode<synchronous>, transform_indices = @transform_4, window_bounds = array<i64: 1, 4608>}, {transform_indices = @transform_5, window_bounds = array<i64: 512, 4608>}]} {
    %get3A = arith.constant 0 : index
    %get3A_0 = arith.constant 0 : index
    %get3A_1 = vector.load %arg1[%get3A, %get3A_0] : memref<512x768xf32, #tpu.memory_space<vmem>>, vector<512x768xf32>
    %get3A_2 = arith.constant 0 : index
    %get3A_3 = arith.constant 0 : index
    %get3A_4 = vector.load %arg2[%get3A_2, %get3A_3] : memref<1x768xf32, #tpu.memory_space<vmem>>, vector<1x768xf32>
    %get3A_5 = arith.constant 0 : index
    %get3A_6 = arith.constant 0 : index
    %get3A_7 = vector.load %arg3[%get3A_5, %get3A_6] : memref<1x768xf32, #tpu.memory_space<vmem>>, vector<1x768xf32>
    %reduce_sum3A = arith.constant dense<0.000000e+00> : vector<512xf32>
    %reduce_sum3A_8 = vector.multi_reduction <add>, %get3A_1, %reduce_sum3A [1] : vector<512x768xf32> to vector<512xf32>
    %broadcast_in_dim3A = vector.shape_cast %reduce_sum3A_8 : vector<512xf32> to vector<512x1xf32>
    %div3A = arith.constant 7.680000e+02 : f32
    %div3A_9 = vector.broadcast %div3A : f32 to vector<512x1xf32>
    %div3A_10 = arith.divf %broadcast_in_dim3A, %div3A_9 : vector<512x1xf32>
    %sub3A = vector.broadcast %div3A_10 : vector<512x1xf32> to vector<512x768xf32>
    %sub3A_11 = arith.subf %get3A_1, %sub3A : vector<512x768xf32>
    %mul3A = arith.mulf %sub3A_11, %sub3A_11 : vector<512x768xf32>
    %reduce_sum3A_12 = arith.constant dense<0.000000e+00> : vector<512xf32>
    %reduce_sum3A_13 = vector.multi_reduction <add>, %mul3A, %reduce_sum3A_12 [1] : vector<512x768xf32> to vector<512xf32>
    %broadcast_in_dim3A_14 = vector.shape_cast %reduce_sum3A_13 : vector<512xf32> to vector<512x1xf32>
    %div3A_15 = arith.constant 7.680000e+02 : f32
    %div3A_16 = vector.broadcast %div3A_15 : f32 to vector<512x1xf32>
    %div3A_17 = arith.divf %broadcast_in_dim3A_14, %div3A_16 : vector<512x1xf32>
    %add3A = arith.constant 9.99999974E-6 : f32
    %add3A_18 = vector.broadcast %add3A : f32 to vector<512x1xf32>
    %add3A_19 = arith.addf %div3A_17, %add3A_18 : vector<512x1xf32>
    %rsqrt3A = math.rsqrt %add3A_19 : vector<512x1xf32>
    %mul3A_20 = vector.broadcast %rsqrt3A : vector<512x1xf32> to vector<512x768xf32>
    %mul3A_21 = arith.mulf %sub3A_11, %mul3A_20 : vector<512x768xf32>
    %mul3A_22 = vector.broadcast %get3A_4 : vector<1x768xf32> to vector<512x768xf32>
    %mul3A_23 = arith.mulf %mul3A_21, %mul3A_22 : vector<512x768xf32>
    %add3A_24 = vector.broadcast %get3A_7 : vector<1x768xf32> to vector<512x768xf32>
    %add3A_25 = arith.addf %mul3A_23, %add3A_24 : vector<512x768xf32>
    %convert_element_type3A = arith.truncf %add3A_25 : vector<512x768xf32> to vector<512x768xbf16>
    %get3A_26 = arith.constant 0 : index
    %get3A_27 = arith.constant 0 : index
    %get3A_28 = vector.load %arg4[%get3A_26, %get3A_27] : memref<4608x768xbf16, #tpu.memory_space<vmem>>, vector<4608x768xbf16>
    %dot_general3A = arith.constant dense<0.000000e+00> : vector<512x4608xf32>
    %dot_general3A_29 = tpu.matmul %convert_element_type3A, %get3A_28, %dot_general3A {dimension_numbers = #tpu.dot_dimension_numbers<[1], [1], [0], [0], [0, 0, 1, 0], [], []>, transpose_lhs_hint = false} : vector<512x768xbf16>, vector<4608x768xbf16>, vector<512x4608xf32> -> vector<512x4608xf32>
    %get3A_30 = arith.constant 0 : index
    %get3A_31 = arith.constant 0 : index
    %get3A_32 = vector.load %arg5[%get3A_30, %get3A_31] : memref<1x4608xf32, #tpu.memory_space<vmem>>, vector<1x4608xf32>
    %add3A_33 = vector.broadcast %get3A_32 : vector<1x4608xf32> to vector<512x4608xf32>
    %add3A_34 = arith.addf %dot_general3A_29, %add3A_33 : vector<512x4608xf32>
    %convert_element_type3A_35 = arith.truncf %add3A_34 : vector<512x4608xf32> to vector<512x4608xbf16>
    %swap3A = arith.constant 0 : index
    %swap3A_36 = arith.constant 0 : index
    %swap3A_37 = vector.load %arg6[%swap3A, %swap3A_36] : memref<512x4608xbf16, #tpu.memory_space<vmem>>, vector<512x4608xbf16>
    tpu.vector_store %arg6[%swap3A, %swap3A_36], %convert_element_type3A_35 {strides = array<i32>} : memref<512x4608xbf16, #tpu.memory_space<vmem>>, vector<512x4608xbf16>,
    return
  }
  func.func @transform_0(%arg0: i32) -> (i32, i32) {
    %c0_i32 = arith.constant 0 : i32
    %c0_i32_0 = arith.constant 0 : i32
    return %arg0, %c0_i32 : i32, i32
  }
  func.func @transform_1(%arg0: i32) -> (i32, i32) {
    %c0_i32 = arith.constant 0 : i32
    %c0_i32_0 = arith.constant 0 : i32
    %c0_i32_1 = arith.constant 0 : i32
    return %c0_i32, %c0_i32_0 : i32, i32
  }
  func.func @transform_2(%arg0: i32) -> (i32, i32) {
    %c0_i32 = arith.constant 0 : i32
    %c0_i32_0 = arith.constant 0 : i32
    %c0_i32_1 = arith.constant 0 : i32
    return %c0_i32, %c0_i32_0 : i32, i32
  }
  func.func @transform_3(%arg0: i32) -> (i32, i32) {
    %c0_i32 = arith.constant 0 : i32
    %c0_i32_0 = arith.constant 0 : i32
    %c0_i32_1 = arith.constant 0 : i32
    return %c0_i32, %c0_i32_0 : i32, i32
  }
  func.func @transform_4(%arg0: i32) -> (i32, i32) {
    %c0_i32 = arith.constant 0 : i32
    %c0_i32_0 = arith.constant 0 : i32
    %c0_i32_1 = arith.constant 0 : i32
    return %c0_i32, %c0_i32_0 : i32, i32
  }
  func.func @transform_5(%arg0: i32) -> (i32, i32) {
    %c0_i32 = arith.constant 0 : i32
    %c0_i32_0 = arith.constant 0 : i32
    return %arg0, %c0_i32 : i32, i32
  }
}

module attributes {stable_mosaic.version = 14 : i64} {
  func.func @_attn_kernel(%arg0: i32, %arg1: i32, %arg2: memref<256x128xbf16, #tpu.memory_space<vmem>>, %arg3: memref<2048x128xbf16, #tpu.memory_space<vmem>>, %arg4: memref<2048x128xbf16, #tpu.memory_space<vmem>>, %arg5: memref<256x128xbf16, #tpu.memory_space<vmem>>) attributes {dimension_semantics = [#tpu.dimension_semantics<arbitrary>, #tpu.dimension_semantics<arbitrary>], iteration_bounds = array<i64: 24, 8>, scalar_prefetch = 0 : i64, scratch_operands = 0 : i64, tpu.core_type = #tpu.core_type<tc>, window_params = [{transform_indices = @transform_0, window_bounds = array<i64: 256, 128>}, {transform_indices = @transform_1, window_bounds = array<i64: 2048, 128>}, {transform_indices = @transform_2, window_bounds = array<i64: 2048, 128>}, {transform_indices = @transform_3, window_bounds = array<i64: 256, 128>}]} {
    %get3A = arith.constant 0 : index
    %get3A_0 = arith.constant 0 : index
    %get3A_1 = vector.load %arg2[%get3A, %get3A_0] : memref<256x128xbf16, #tpu.memory_space<vmem>>, vector<256x128xbf16>
    %get3A_2 = arith.constant 0 : index
    %get3A_3 = arith.constant 0 : index
    %get3A_4 = vector.load %arg3[%get3A_2, %get3A_3] : memref<2048x128xbf16, #tpu.memory_space<vmem>>, vector<2048x128xbf16>
    %dot_general3A = arith.constant dense<0.000000e+00> : vector<256x2048xf32>
    %dot_general3A_5 = tpu.matmul %get3A_1, %get3A_4, %dot_general3A {dimension_numbers = #tpu.dot_dimension_numbers<[1], [1], [0], [0], [0, 0, 1, 0], [], []>, transpose_lhs_hint = false} : vector<256x128xbf16>, vector<2048x128xbf16>, vector<256x2048xf32> -> vector<256x2048xf32>
    %reduce_max3A = arith.constant dense<0xFF800000> : vector<256xf32>
    %reduce_max3A_6 = vector.multi_reduction <maximumf>, %dot_general3A_5, %reduce_max3A [1] : vector<256x2048xf32> to vector<256xf32>
    %broadcast_in_dim3A = vector.shape_cast %reduce_max3A_6 : vector<256xf32> to vector<256x1xf32>
    %sub3A = vector.broadcast %broadcast_in_dim3A : vector<256x1xf32> to vector<256x2048xf32>
    %sub3A_7 = arith.subf %dot_general3A_5, %sub3A : vector<256x2048xf32>
    %exp23A = math.exp2 %sub3A_7 : vector<256x2048xf32>
    %reduce_sum3A = arith.constant dense<0.000000e+00> : vector<256xf32>
    %reduce_sum3A_8 = vector.multi_reduction <add>, %exp23A, %reduce_sum3A [1] : vector<256x2048xf32> to vector<256xf32>
    %broadcast_in_dim3A_9 = vector.shape_cast %reduce_sum3A_8 : vector<256xf32> to vector<256x1xf32>
    %div3A = arith.constant 1.000000e+00 : f32
    %div3A_10 = vector.broadcast %div3A : f32 to vector<256x1xf32>
    %div3A_11 = arith.divf %div3A_10, %broadcast_in_dim3A_9 : vector<256x1xf32>
    %convert_element_type3A = arith.truncf %exp23A : vector<256x2048xf32> to vector<256x2048xbf16>
    %get3A_12 = arith.constant 0 : index
    %get3A_13 = arith.constant 0 : index
    %get3A_14 = vector.load %arg4[%get3A_12, %get3A_13] : memref<2048x128xbf16, #tpu.memory_space<vmem>>, vector<2048x128xbf16>
    %dot_general3A_15 = arith.constant dense<0.000000e+00> : vector<256x128xf32>
    %dot_general3A_16 = tpu.matmul %convert_element_type3A, %get3A_14, %dot_general3A_15 {dimension_numbers = #tpu.dot_dimension_numbers<[1], [0], [0], [1], [0, 0, 1, 1], [], []>, transpose_lhs_hint = false} : vector<256x2048xbf16>, vector<2048x128xbf16>, vector<256x128xf32> -> vector<256x128xf32>
    %mul3A = vector.broadcast %div3A_11 : vector<256x1xf32> to vector<256x128xf32>
    %mul3A_17 = arith.mulf %dot_general3A_16, %mul3A : vector<256x128xf32>
    %convert_element_type3A_18 = arith.truncf %mul3A_17 : vector<256x128xf32> to vector<256x128xbf16>
    %swap3A = arith.constant 0 : index
    %swap3A_19 = arith.constant 0 : index
    %swap3A_20 = vector.load %arg5[%swap3A, %swap3A_19] : memref<256x128xbf16, #tpu.memory_space<vmem>>, vector<256x128xbf16>
    tpu.vector_store %arg5[%swap3A, %swap3A_19], %convert_element_type3A_18 {strides = array<i32>} : memref<256x128xbf16, #tpu.memory_space<vmem>>, vector<256x128xbf16>,
    return
  }
  func.func @transform_0(%arg0: i32, %arg1: i32) -> (i32, i32) {
    %jit3A = arith.constant 12 : i32
    %div3A = arith.divsi %arg0, %jit3A : i32
    %sign3A = arith.constant 0 : i32
    %sign3A_0 = arith.cmpi sgt, %arg0, %sign3A : i32
    %sign3A_1 = arith.extui %sign3A_0 : i1 to i32
    %sign3A_2 = arith.constant 0 : i32
    %sign3A_3 = arith.cmpi slt, %arg0, %sign3A_2 : i32
    %sign3A_4 = arith.extui %sign3A_3 : i1 to i32
    %sign3A_5 = arith.subi %sign3A_1, %sign3A_4 : i32
    %sign3A_6 = arith.constant 0 : i32
    %sign3A_7 = arith.cmpi sgt, %jit3A, %sign3A_6 : i32
    %sign3A_8 = arith.extui %sign3A_7 : i1 to i32
    %sign3A_9 = arith.constant 0 : i32
    %sign3A_10 = arith.cmpi slt, %jit3A, %sign3A_9 : i32
    %sign3A_11 = arith.extui %sign3A_10 : i1 to i32
    %sign3A_12 = arith.subi %sign3A_8, %sign3A_11 : i32
    %ne3A = arith.cmpi ne, %sign3A_5, %sign3A_12 : i32
    %rem3A = arith.remsi %arg0, %jit3A : i32
    %ne3A_13 = arith.constant 0 : i32
    %ne3A_14 = arith.cmpi ne, %rem3A, %ne3A_13 : i32
    %and3A = arith.andi %ne3A, %ne3A_14 : i1
    %sub3A = arith.constant 1 : i32
    %sub3A_15 = arith.subi %div3A, %sub3A : i32
    %select_n3A = arith.select %and3A, %sub3A_15, %div3A : i32
    %mul3A = arith.constant 8 : i32
    %mul3A_16 = arith.muli %select_n3A, %mul3A : i32
    %add3A = arith.addi %mul3A_16, %arg1 : i32
    %jit3A_17 = arith.constant 12 : i32
    %eq3A = arith.constant 0 : i32
    %eq3A_18 = arith.cmpi eq, %jit3A_17, %eq3A : i32
    %jit3A_19 = arith.constant 1 : i32
    %select_n3A_20 = arith.select %eq3A_18, %jit3A_19, %jit3A_17 : i32
    %rem3A_21 = arith.remsi %arg0, %select_n3A_20 : i32
    %ne3A_22 = arith.constant 0 : i32
    %ne3A_23 = arith.cmpi ne, %rem3A_21, %ne3A_22 : i32
    %lt3A = arith.constant 0 : i32
    %lt3A_24 = arith.cmpi slt, %rem3A_21, %lt3A : i32
    %lt3A_25 = arith.constant 0 : i32
    %lt3A_26 = arith.cmpi slt, %select_n3A_20, %lt3A_25 : i32
    %ne3A_27 = arith.xori %lt3A_24, %lt3A_26 : i1
    %and3A_28 = arith.andi %ne3A_27, %ne3A_23 : i1
    %add3A_29 = arith.addi %rem3A_21, %select_n3A_20 : i32
    %select_n3A_30 = arith.select %and3A_28, %add3A_29, %rem3A_21 : i32
    %c0_i32 = arith.constant 0 : i32
    return %add3A, %select_n3A_30 : i32, i32
  }
  func.func @transform_1(%arg0: i32, %arg1: i32) -> (i32, i32) {
    %jit3A = arith.constant 12 : i32
    %div3A = arith.divsi %arg0, %jit3A : i32
    %sign3A = arith.constant 0 : i32
    %sign3A_0 = arith.cmpi sgt, %arg0, %sign3A : i32
    %sign3A_1 = arith.extui %sign3A_0 : i1 to i32
    %sign3A_2 = arith.constant 0 : i32
    %sign3A_3 = arith.cmpi slt, %arg0, %sign3A_2 : i32
    %sign3A_4 = arith.extui %sign3A_3 : i1 to i32
    %sign3A_5 = arith.subi %sign3A_1, %sign3A_4 : i32
    %sign3A_6 = arith.constant 0 : i32
    %sign3A_7 = arith.cmpi sgt, %jit3A, %sign3A_6 : i32
    %sign3A_8 = arith.extui %sign3A_7 : i1 to i32
    %sign3A_9 = arith.constant 0 : i32
    %sign3A_10 = arith.cmpi slt, %jit3A, %sign3A_9 : i32
    %sign3A_11 = arith.extui %sign3A_10 : i1 to i32
    %sign3A_12 = arith.subi %sign3A_8, %sign3A_11 : i32
    %ne3A = arith.cmpi ne, %sign3A_5, %sign3A_12 : i32
    %rem3A = arith.remsi %arg0, %jit3A : i32
    %ne3A_13 = arith.constant 0 : i32
    %ne3A_14 = arith.cmpi ne, %rem3A, %ne3A_13 : i32
    %and3A = arith.andi %ne3A, %ne3A_14 : i1
    %sub3A = arith.constant 1 : i32
    %sub3A_15 = arith.subi %div3A, %sub3A : i32
    %select_n3A = arith.select %and3A, %sub3A_15, %div3A : i32
    %jit3A_16 = arith.constant 12 : i32
    %eq3A = arith.constant 0 : i32
    %eq3A_17 = arith.cmpi eq, %jit3A_16, %eq3A : i32
    %jit3A_18 = arith.constant 1 : i32
    %select_n3A_19 = arith.select %eq3A_17, %jit3A_18, %jit3A_16 : i32
    %rem3A_20 = arith.remsi %arg0, %select_n3A_19 : i32
    %ne3A_21 = arith.constant 0 : i32
    %ne3A_22 = arith.cmpi ne, %rem3A_20, %ne3A_21 : i32
    %lt3A = arith.constant 0 : i32
    %lt3A_23 = arith.cmpi slt, %rem3A_20, %lt3A : i32
    %lt3A_24 = arith.constant 0 : i32
    %lt3A_25 = arith.cmpi slt, %select_n3A_19, %lt3A_24 : i32
    %ne3A_26 = arith.xori %lt3A_23, %lt3A_25 : i1
    %and3A_27 = arith.andi %ne3A_26, %ne3A_22 : i1
    %add3A = arith.addi %rem3A_20, %select_n3A_19 : i32
    %select_n3A_28 = arith.select %and3A_27, %add3A, %rem3A_20 : i32
    %add3A_29 = arith.constant 12 : i32
    %add3A_30 = arith.addi %add3A_29, %select_n3A_28 : i32
    %c0_i32 = arith.constant 0 : i32
    return %select_n3A, %add3A_30 : i32, i32
  }
  func.func @transform_2(%arg0: i32, %arg1: i32) -> (i32, i32) {
    %jit3A = arith.constant 12 : i32
    %div3A = arith.divsi %arg0, %jit3A : i32
    %sign3A = arith.constant 0 : i32
    %sign3A_0 = arith.cmpi sgt, %arg0, %sign3A : i32
    %sign3A_1 = arith.extui %sign3A_0 : i1 to i32
    %sign3A_2 = arith.constant 0 : i32
    %sign3A_3 = arith.cmpi slt, %arg0, %sign3A_2 : i32
    %sign3A_4 = arith.extui %sign3A_3 : i1 to i32
    %sign3A_5 = arith.subi %sign3A_1, %sign3A_4 : i32
    %sign3A_6 = arith.constant 0 : i32
    %sign3A_7 = arith.cmpi sgt, %jit3A, %sign3A_6 : i32
    %sign3A_8 = arith.extui %sign3A_7 : i1 to i32
    %sign3A_9 = arith.constant 0 : i32
    %sign3A_10 = arith.cmpi slt, %jit3A, %sign3A_9 : i32
    %sign3A_11 = arith.extui %sign3A_10 : i1 to i32
    %sign3A_12 = arith.subi %sign3A_8, %sign3A_11 : i32
    %ne3A = arith.cmpi ne, %sign3A_5, %sign3A_12 : i32
    %rem3A = arith.remsi %arg0, %jit3A : i32
    %ne3A_13 = arith.constant 0 : i32
    %ne3A_14 = arith.cmpi ne, %rem3A, %ne3A_13 : i32
    %and3A = arith.andi %ne3A, %ne3A_14 : i1
    %sub3A = arith.constant 1 : i32
    %sub3A_15 = arith.subi %div3A, %sub3A : i32
    %select_n3A = arith.select %and3A, %sub3A_15, %div3A : i32
    %jit3A_16 = arith.constant 12 : i32
    %eq3A = arith.constant 0 : i32
    %eq3A_17 = arith.cmpi eq, %jit3A_16, %eq3A : i32
    %jit3A_18 = arith.constant 1 : i32
    %select_n3A_19 = arith.select %eq3A_17, %jit3A_18, %jit3A_16 : i32
    %rem3A_20 = arith.remsi %arg0, %select_n3A_19 : i32
    %ne3A_21 = arith.constant 0 : i32
    %ne3A_22 = arith.cmpi ne, %rem3A_20, %ne3A_21 : i32
    %lt3A = arith.constant 0 : i32
    %lt3A_23 = arith.cmpi slt, %rem3A_20, %lt3A : i32
    %lt3A_24 = arith.constant 0 : i32
    %lt3A_25 = arith.cmpi slt, %select_n3A_19, %lt3A_24 : i32
    %ne3A_26 = arith.xori %lt3A_23, %lt3A_25 : i1
    %and3A_27 = arith.andi %ne3A_26, %ne3A_22 : i1
    %add3A = arith.addi %rem3A_20, %select_n3A_19 : i32
    %select_n3A_28 = arith.select %and3A_27, %add3A, %rem3A_20 : i32
    %add3A_29 = arith.constant 24 : i32
    %add3A_30 = arith.addi %add3A_29, %select_n3A_28 : i32
    %c0_i32 = arith.constant 0 : i32
    return %select_n3A, %add3A_30 : i32, i32
  }
  func.func @transform_3(%arg0: i32, %arg1: i32) -> (i32, i32) {
    %jit3A = arith.constant 12 : i32
    %div3A = arith.divsi %arg0, %jit3A : i32
    %sign3A = arith.constant 0 : i32
    %sign3A_0 = arith.cmpi sgt, %arg0, %sign3A : i32
    %sign3A_1 = arith.extui %sign3A_0 : i1 to i32
    %sign3A_2 = arith.constant 0 : i32
    %sign3A_3 = arith.cmpi slt, %arg0, %sign3A_2 : i32
    %sign3A_4 = arith.extui %sign3A_3 : i1 to i32
    %sign3A_5 = arith.subi %sign3A_1, %sign3A_4 : i32
    %sign3A_6 = arith.constant 0 : i32
    %sign3A_7 = arith.cmpi sgt, %jit3A, %sign3A_6 : i32
    %sign3A_8 = arith.extui %sign3A_7 : i1 to i32
    %sign3A_9 = arith.constant 0 : i32
    %sign3A_10 = arith.cmpi slt, %jit3A, %sign3A_9 : i32
    %sign3A_11 = arith.extui %sign3A_10 : i1 to i32
    %sign3A_12 = arith.subi %sign3A_8, %sign3A_11 : i32
    %ne3A = arith.cmpi ne, %sign3A_5, %sign3A_12 : i32
    %rem3A = arith.remsi %arg0, %jit3A : i32
    %ne3A_13 = arith.constant 0 : i32
    %ne3A_14 = arith.cmpi ne, %rem3A, %ne3A_13 : i32
    %and3A = arith.andi %ne3A, %ne3A_14 : i1
    %sub3A = arith.constant 1 : i32
    %sub3A_15 = arith.subi %div3A, %sub3A : i32
    %select_n3A = arith.select %and3A, %sub3A_15, %div3A : i32
    %mul3A = arith.constant 8 : i32
    %mul3A_16 = arith.muli %select_n3A, %mul3A : i32
    %add3A = arith.addi %mul3A_16, %arg1 : i32
    %jit3A_17 = arith.constant 12 : i32
    %eq3A = arith.constant 0 : i32
    %eq3A_18 = arith.cmpi eq, %jit3A_17, %eq3A : i32
    %jit3A_19 = arith.constant 1 : i32
    %select_n3A_20 = arith.select %eq3A_18, %jit3A_19, %jit3A_17 : i32
    %rem3A_21 = arith.remsi %arg0, %select_n3A_20 : i32
    %ne3A_22 = arith.constant 0 : i32
    %ne3A_23 = arith.cmpi ne, %rem3A_21, %ne3A_22 : i32
    %lt3A = arith.constant 0 : i32
    %lt3A_24 = arith.cmpi slt, %rem3A_21, %lt3A : i32
    %lt3A_25 = arith.constant 0 : i32
    %lt3A_26 = arith.cmpi slt, %select_n3A_20, %lt3A_25 : i32
    %ne3A_27 = arith.xori %lt3A_24, %lt3A_26 : i1
    %and3A_28 = arith.andi %ne3A_27, %ne3A_23 : i1
    %add3A_29 = arith.addi %rem3A_21, %select_n3A_20 : i32
    %select_n3A_30 = arith.select %and3A_28, %add3A_29, %rem3A_21 : i32
    %c0_i32 = arith.constant 0 : i32
    return %add3A, %select_n3A_30 : i32, i32
  }
}

module attributes {stable_mosaic.version = 14 : i64} {
  func.func @_post_kernel(%arg0: i32, %arg1: memref<512x1536xbf16, #tpu.memory_space<vmem>>, %arg2: memref<512x768xf32, #tpu.memory_space<vmem>>, %arg3: memref<768x1536xbf16, #tpu.memory_space<vmem>>, %arg4: memref<1x768xf32, #tpu.memory_space<vmem>>, %arg5: memref<1x768xf32, #tpu.memory_space<vmem>>, %arg6: memref<1x768xf32, #tpu.memory_space<vmem>>, %arg7: memref<768x64xf32, #tpu.memory_space<vmem>>, %arg8: memref<512x768xf32, #tpu.memory_space<vmem>>, %arg9: memref<512x768xf32, #tpu.memory_space<vmem>>, %arg10: memref<512x1xi32, #tpu.memory_space<vmem>>, %arg11: memref<512x1xi32, #tpu.memory_space<vmem>>, %arg12: memref<512x1xf32, #tpu.memory_space<vmem>>, %arg13: memref<1x64xf32, #tpu.memory_space<vmem>>) attributes {dimension_semantics = [#tpu.dimension_semantics<arbitrary>], iteration_bounds = array<i64: 8>, scalar_prefetch = 0 : i64, scratch_operands = 1 : i64, tpu.core_type = #tpu.core_type<tc>, window_params = [{transform_indices = @transform_0, window_bounds = array<i64: 512, 1536>}, {transform_indices = @transform_1, window_bounds = array<i64: 512, 768>}, {pipeline_mode = #tpu.pipeline_mode<synchronous>, transform_indices = @transform_2, window_bounds = array<i64: 768, 1536>}, {pipeline_mode = #tpu.pipeline_mode<synchronous>, transform_indices = @transform_3, window_bounds = array<i64: 1, 768>}, {pipeline_mode = #tpu.pipeline_mode<synchronous>, transform_indices = @transform_4, window_bounds = array<i64: 1, 768>}, {pipeline_mode = #tpu.pipeline_mode<synchronous>, transform_indices = @transform_5, window_bounds = array<i64: 1, 768>}, {pipeline_mode = #tpu.pipeline_mode<synchronous>, transform_indices = @transform_6, window_bounds = array<i64: 768, 64>}, {transform_indices = @transform_7, window_bounds = array<i64: 512, 768>}, {transform_indices = @transform_8, window_bounds = array<i64: 512, 768>}, {transform_indices = @transform_9, window_bounds = array<i64: 512, 1>}, {transform_indices = @transform_10, window_bounds = array<i64: 512, 1>}, {transform_indices = @transform_11, window_bounds = array<i64: 512, 1>}]} {
    %get3A = arith.constant 0 : index
    %get3A_0 = arith.constant 0 : index
    %get3A_1 = vector.load %arg1[%get3A, %get3A_0] : memref<512x1536xbf16, #tpu.memory_space<vmem>>, vector<512x1536xbf16>
    %get3A_2 = arith.constant 0 : index
    %get3A_3 = arith.constant 0 : index
    %get3A_4 = vector.load %arg3[%get3A_2, %get3A_3] : memref<768x1536xbf16, #tpu.memory_space<vmem>>, vector<768x1536xbf16>
    %dot_general3A = arith.constant dense<0.000000e+00> : vector<512x768xf32>
    %dot_general3A_5 = tpu.matmul %get3A_1, %get3A_4, %dot_general3A {dimension_numbers = #tpu.dot_dimension_numbers<[1], [1], [0], [0], [0, 0, 1, 0], [], []>, transpose_lhs_hint = false} : vector<512x1536xbf16>, vector<768x1536xbf16>, vector<512x768xf32> -> vector<512x768xf32>
    %get3A_6 = arith.constant 0 : index
    %get3A_7 = arith.constant 0 : index
    %get3A_8 = vector.load %arg2[%get3A_6, %get3A_7] : memref<512x768xf32, #tpu.memory_space<vmem>>, vector<512x768xf32>
    %add3A = arith.addf %get3A_8, %dot_general3A_5 : vector<512x768xf32>
    %get3A_9 = arith.constant 0 : index
    %get3A_10 = arith.constant 0 : index
    %get3A_11 = vector.load %arg4[%get3A_9, %get3A_10] : memref<1x768xf32, #tpu.memory_space<vmem>>, vector<1x768xf32>
    %add3A_12 = vector.broadcast %get3A_11 : vector<1x768xf32> to vector<512x768xf32>
    %add3A_13 = arith.addf %add3A, %add3A_12 : vector<512x768xf32>
    %swap3A = arith.constant 0 : index
    %swap3A_14 = arith.constant 0 : index
    %swap3A_15 = vector.load %arg8[%swap3A, %swap3A_14] : memref<512x768xf32, #tpu.memory_space<vmem>>, vector<512x768xf32>
    tpu.vector_store %arg8[%swap3A, %swap3A_14], %add3A_13 {strides = array<i32>} : memref<512x768xf32, #tpu.memory_space<vmem>>, vector<512x768xf32>,
    %get3A_16 = arith.constant 0 : index
    %get3A_17 = arith.constant 0 : index
    %get3A_18 = vector.load %arg5[%get3A_16, %get3A_17] : memref<1x768xf32, #tpu.memory_space<vmem>>, vector<1x768xf32>
    %get3A_19 = arith.constant 0 : index
    %get3A_20 = arith.constant 0 : index
    %get3A_21 = vector.load %arg6[%get3A_19, %get3A_20] : memref<1x768xf32, #tpu.memory_space<vmem>>, vector<1x768xf32>
    %reduce_sum3A = arith.constant dense<0.000000e+00> : vector<512xf32>
    %reduce_sum3A_22 = vector.multi_reduction <add>, %add3A_13, %reduce_sum3A [1] : vector<512x768xf32> to vector<512xf32>
    %broadcast_in_dim3A = vector.shape_cast %reduce_sum3A_22 : vector<512xf32> to vector<512x1xf32>
    %div3A = arith.constant 7.680000e+02 : f32
    %div3A_23 = vector.broadcast %div3A : f32 to vector<512x1xf32>
    %div3A_24 = arith.divf %broadcast_in_dim3A, %div3A_23 : vector<512x1xf32>
    %sub3A = vector.broadcast %div3A_24 : vector<512x1xf32> to vector<512x768xf32>
    %sub3A_25 = arith.subf %add3A_13, %sub3A : vector<512x768xf32>
    %mul3A = arith.mulf %sub3A_25, %sub3A_25 : vector<512x768xf32>
    %reduce_sum3A_26 = arith.constant dense<0.000000e+00> : vector<512xf32>
    %reduce_sum3A_27 = vector.multi_reduction <add>, %mul3A, %reduce_sum3A_26 [1] : vector<512x768xf32> to vector<512xf32>
    %broadcast_in_dim3A_28 = vector.shape_cast %reduce_sum3A_27 : vector<512xf32> to vector<512x1xf32>
    %div3A_29 = arith.constant 7.680000e+02 : f32
    %div3A_30 = vector.broadcast %div3A_29 : f32 to vector<512x1xf32>
    %div3A_31 = arith.divf %broadcast_in_dim3A_28, %div3A_30 : vector<512x1xf32>
    %add3A_32 = arith.constant 9.99999974E-6 : f32
    %add3A_33 = vector.broadcast %add3A_32 : f32 to vector<512x1xf32>
    %add3A_34 = arith.addf %div3A_31, %add3A_33 : vector<512x1xf32>
    %rsqrt3A = math.rsqrt %add3A_34 : vector<512x1xf32>
    %mul3A_35 = vector.broadcast %rsqrt3A : vector<512x1xf32> to vector<512x768xf32>
    %mul3A_36 = arith.mulf %sub3A_25, %mul3A_35 : vector<512x768xf32>
    %mul3A_37 = vector.broadcast %get3A_18 : vector<1x768xf32> to vector<512x768xf32>
    %mul3A_38 = arith.mulf %mul3A_36, %mul3A_37 : vector<512x768xf32>
    %add3A_39 = vector.broadcast %get3A_21 : vector<1x768xf32> to vector<512x768xf32>
    %add3A_40 = arith.addf %mul3A_38, %add3A_39 : vector<512x768xf32>
    %swap3A_41 = arith.constant 0 : index
    %swap3A_42 = arith.constant 0 : index
    %swap3A_43 = vector.load %arg9[%swap3A_41, %swap3A_42] : memref<512x768xf32, #tpu.memory_space<vmem>>, vector<512x768xf32>
    tpu.vector_store %arg9[%swap3A_41, %swap3A_42], %add3A_40 {strides = array<i32>} : memref<512x768xf32, #tpu.memory_space<vmem>>, vector<512x768xf32>,
    %get3A_44 = arith.constant 0 : index
    %get3A_45 = arith.constant 0 : index
    %get3A_46 = vector.load %arg7[%get3A_44, %get3A_45] : memref<768x64xf32, #tpu.memory_space<vmem>>, vector<768x64xf32>
    %dot_general3A_47 = arith.constant dense<0.000000e+00> : vector<512x64xf32>
    %dot_general3A_48 = tpu.matmul %add3A_40, %get3A_46, %dot_general3A_47 {dimension_numbers = #tpu.dot_dimension_numbers<[1], [0], [0], [1], [0, 0, 1, 1], [], []>, transpose_lhs_hint = false} : vector<512x768xf32>, vector<768x64xf32>, vector<512x64xf32> -> vector<512x64xf32>
    %reduce_max3A = arith.constant dense<0xFF800000> : vector<512xf32>
    %reduce_max3A_49 = vector.multi_reduction <maximumf>, %dot_general3A_48, %reduce_max3A [1] : vector<512x64xf32> to vector<512xf32>
    %broadcast_in_dim3A_50 = vector.shape_cast %reduce_max3A_49 : vector<512xf32> to vector<512x1xf32>
    %sub3A_51 = vector.broadcast %broadcast_in_dim3A_50 : vector<512x1xf32> to vector<512x64xf32>
    %sub3A_52 = arith.subf %dot_general3A_48, %sub3A_51 : vector<512x64xf32>
    %exp3A = math.exp %sub3A_52 : vector<512x64xf32>
    %reduce_sum3A_53 = arith.constant dense<0.000000e+00> : vector<512xf32>
    %reduce_sum3A_54 = vector.multi_reduction <add>, %exp3A, %reduce_sum3A_53 [1] : vector<512x64xf32> to vector<512xf32>
    %broadcast_in_dim3A_55 = vector.shape_cast %reduce_sum3A_54 : vector<512xf32> to vector<512x1xf32>
    %div3A_56 = vector.broadcast %broadcast_in_dim3A_55 : vector<512x1xf32> to vector<512x64xf32>
    %div3A_57 = arith.divf %exp3A, %div3A_56 : vector<512x64xf32>
    %iota3A = tpu.iota {dimensions = array<i32: 1>} : vector<512x64xi32>
    %eq3A = vector.broadcast %broadcast_in_dim3A_50 : vector<512x1xf32> to vector<512x64xf32>
    %eq3A_58 = arith.cmpf oeq, %dot_general3A_48, %eq3A : vector<512x64xf32>
    %jit3A = arith.constant 64 : i32
    %broadcast_in_dim3A_59 = vector.broadcast %jit3A : i32 to vector<512x64xi32>
    %select_n3A = arith.select %eq3A_58, %iota3A, %broadcast_in_dim3A_59 : vector<512x64xi1>, vector<512x64xi32>
    %reduce_min3A = arith.constant dense<2147483647> : vector<512xi32>
    %reduce_min3A_60 = vector.multi_reduction <minsi>, %select_n3A, %reduce_min3A [1] : vector<512x64xi32> to vector<512xi32>
    %broadcast_in_dim3A_61 = vector.shape_cast %reduce_min3A_60 : vector<512xi32> to vector<512x1xi32>
    %eq3A_62 = vector.broadcast %broadcast_in_dim3A_61 : vector<512x1xi32> to vector<512x64xi32>
    %eq3A_63 = arith.cmpi eq, %iota3A, %eq3A_62 : vector<512x64xi32>
    %convert_element_type3A = arith.extui %eq3A_63 : vector<512x64xi1> to vector<512x64xi32>
    %convert_element_type3A_64 = arith.sitofp %convert_element_type3A : vector<512x64xi32> to vector<512x64xf32>
    %mul3A_65 = arith.mulf %div3A_57, %convert_element_type3A_64 : vector<512x64xf32>
    %reduce_sum3A_66 = arith.constant dense<0.000000e+00> : vector<512xf32>
    %reduce_sum3A_67 = vector.multi_reduction <add>, %mul3A_65, %reduce_sum3A_66 [1] : vector<512x64xf32> to vector<512xf32>
    %broadcast_in_dim3A_68 = vector.shape_cast %reduce_sum3A_67 : vector<512xf32> to vector<512x1xf32>
    %eq3A_69 = arith.constant 0 : i32
    %eq3A_70 = arith.cmpi eq, %arg0, %eq3A_69 : i32
    %convert_element_type3A_71 = arith.extui %eq3A_70 : i1 to i32
    %cond3A = arith.constant 0 : i32
    %cond3A_72 = arith.cmpi ne, %convert_element_type3A_71, %cond3A : i32
    scf.if %cond3A_72 {
      %broadcast_in_dim3A_119 = arith.constant 0.000000e+00 : f32
      %broadcast_in_dim3A_120 = vector.broadcast %broadcast_in_dim3A_119 : f32 to vector<1x64xf32>
      %swap3A_121 = arith.constant 0 : index
      %swap3A_122 = arith.constant 0 : index
      %swap3A_123 = vector.load %arg13[%swap3A_121, %swap3A_122] : memref<1x64xf32, #tpu.memory_space<vmem>>, vector<1x64xf32>
      tpu.vector_store %arg13[%swap3A_121, %swap3A_122], %broadcast_in_dim3A_120 {strides = array<i32>} : memref<1x64xf32, #tpu.memory_space<vmem>>, vector<1x64xf32>,
    } else {
    }
    %get3A_73 = arith.constant 0 : index
    %get3A_74 = arith.constant 0 : index
    %get3A_75 = vector.load %arg13[%get3A_73, %get3A_74] : memref<1x64xf32, #tpu.memory_space<vmem>>, vector<1x64xf32>
    %iota3A_76 = tpu.iota {dimensions = array<i32: 0>} : vector<512x512xi32>
    %iota3A_77 = tpu.iota {dimensions = array<i32: 1>} : vector<512x512xi32>
    %gt3A = arith.cmpi sgt, %iota3A_76, %iota3A_77 : vector<512x512xi32>
    %convert_element_type3A_78 = arith.extui %gt3A : vector<512x512xi1> to vector<512x512xi32>
    %convert_element_type3A_79 = arith.sitofp %convert_element_type3A_78 : vector<512x512xi32> to vector<512x512xf32>
    %dot_general3A_80 = arith.constant dense<0.000000e+00> : vector<512x64xf32>
    %dot_general3A_81 = tpu.matmul %convert_element_type3A_79, %convert_element_type3A_64, %dot_general3A_80 {dimension_numbers = #tpu.dot_dimension_numbers<[1], [0], [0], [1], [0, 0, 1, 1], [], []>, transpose_lhs_hint = false} : vector<512x512xf32>, vector<512x64xf32>, vector<512x64xf32> -> vector<512x64xf32>
    %add3A_82 = vector.broadcast %get3A_75 : vector<1x64xf32> to vector<512x64xf32>
    %add3A_83 = arith.addf %dot_general3A_81, %add3A_82 : vector<512x64xf32>
    %mul3A_84 = arith.mulf %add3A_83, %convert_element_type3A_64 : vector<512x64xf32>
    %reduce_sum3A_85 = arith.constant dense<0.000000e+00> : vector<512xf32>
    %reduce_sum3A_86 = vector.multi_reduction <add>, %mul3A_84, %reduce_sum3A_85 [1] : vector<512x64xf32> to vector<512xf32>
    %broadcast_in_dim3A_87 = vector.shape_cast %reduce_sum3A_86 : vector<512xf32> to vector<512x1xf32>
    %convert_element_type3A_88 = arith.fptosi %broadcast_in_dim3A_87 : vector<512x1xf32> to vector<512x1xi32>
    %reduce_sum3A_89 = arith.constant dense<0.000000e+00> : vector<64xf32>
    %reduce_sum3A_90 = vector.multi_reduction <add>, %convert_element_type3A_64, %reduce_sum3A_89 [0] : vector<512x64xf32> to vector<64xf32>
    %broadcast_in_dim3A_91 = vector.shape_cast %reduce_sum3A_90 : vector<64xf32> to vector<1x64xf32>
    %add3A_92 = arith.addf %get3A_75, %broadcast_in_dim3A_91 : vector<1x64xf32>
    %swap3A_93 = arith.constant 0 : index
    %swap3A_94 = arith.constant 0 : index
    %swap3A_95 = vector.load %arg13[%swap3A_93, %swap3A_94] : memref<1x64xf32, #tpu.memory_space<vmem>>, vector<1x64xf32>
    tpu.vector_store %arg13[%swap3A_93, %swap3A_94], %add3A_92 {strides = array<i32>} : memref<1x64xf32, #tpu.memory_space<vmem>>, vector<1x64xf32>,
    %lt3A = arith.constant 64 : i32
    %lt3A_96 = vector.broadcast %lt3A : i32 to vector<512x1xi32>
    %lt3A_97 = arith.cmpi slt, %convert_element_type3A_88, %lt3A_96 : vector<512x1xi32>
    %min3A = arith.constant 63 : i32
    %min3A_98 = vector.broadcast %min3A : i32 to vector<512x1xi32>
    %min3A_99 = arith.minsi %convert_element_type3A_88, %min3A_98 : vector<512x1xi32>
    %mul3A_100 = arith.constant 64 : i32
    %mul3A_101 = vector.broadcast %mul3A_100 : i32 to vector<512x1xi32>
    %mul3A_102 = arith.muli %broadcast_in_dim3A_61, %mul3A_101 : vector<512x1xi32>
    %add3A_103 = arith.addi %mul3A_102, %min3A_99 : vector<512x1xi32>
    %jit3A_104 = arith.constant 4096 : i32
    %broadcast_in_dim3A_105 = vector.broadcast %jit3A_104 : i32 to vector<512x1xi32>
    %select_n3A_106 = arith.select %lt3A_97, %add3A_103, %broadcast_in_dim3A_105 : vector<512x1xi1>, vector<512x1xi32>
    %swap3A_107 = arith.constant 0 : index
    %swap3A_108 = arith.constant 0 : index
    %swap3A_109 = vector.load %arg10[%swap3A_107, %swap3A_108] : memref<512x1xi32, #tpu.memory_space<vmem>>, vector<512x1xi32>
    tpu.vector_store %arg10[%swap3A_107, %swap3A_108], %select_n3A_106 {strides = array<i32>} : memref<512x1xi32, #tpu.memory_space<vmem>>, vector<512x1xi32>,
    %swap3A_110 = arith.constant 0 : index
    %swap3A_111 = arith.constant 0 : index
    %swap3A_112 = vector.load %arg11[%swap3A_110, %swap3A_111] : memref<512x1xi32, #tpu.memory_space<vmem>>, vector<512x1xi32>
    tpu.vector_store %arg11[%swap3A_110, %swap3A_111], %add3A_103 {strides = array<i32>} : memref<512x1xi32, #tpu.memory_space<vmem>>, vector<512x1xi32>,
    %jit3A_113 = arith.constant 0.000000e+00 : f32
    %broadcast_in_dim3A_114 = vector.broadcast %jit3A_113 : f32 to vector<512x1xf32>
    %select_n3A_115 = arith.select %lt3A_97, %broadcast_in_dim3A_68, %broadcast_in_dim3A_114 : vector<512x1xi1>, vector<512x1xf32>
    %swap3A_116 = arith.constant 0 : index
    %swap3A_117 = arith.constant 0 : index
    %swap3A_118 = vector.load %arg12[%swap3A_116, %swap3A_117] : memref<512x1xf32, #tpu.memory_space<vmem>>, vector<512x1xf32>
    tpu.vector_store %arg12[%swap3A_116, %swap3A_117], %select_n3A_115 {strides = array<i32>} : memref<512x1xf32, #tpu.memory_space<vmem>>, vector<512x1xf32>,
    return
  }
  func.func @transform_0(%arg0: i32) -> (i32, i32) {
    %c0_i32 = arith.constant 0 : i32
    %c0_i32_0 = arith.constant 0 : i32
    return %arg0, %c0_i32 : i32, i32
  }
  func.func @transform_1(%arg0: i32) -> (i32, i32) {
    %c0_i32 = arith.constant 0 : i32
    %c0_i32_0 = arith.constant 0 : i32
    return %arg0, %c0_i32 : i32, i32
  }
  func.func @transform_2(%arg0: i32) -> (i32, i32) {
    %c0_i32 = arith.constant 0 : i32
    %c0_i32_0 = arith.constant 0 : i32
    %c0_i32_1 = arith.constant 0 : i32
    return %c0_i32, %c0_i32_0 : i32, i32
  }
  func.func @transform_3(%arg0: i32) -> (i32, i32) {
    %c0_i32 = arith.constant 0 : i32
    %c0_i32_0 = arith.constant 0 : i32
    %c0_i32_1 = arith.constant 0 : i32
    return %c0_i32, %c0_i32_0 : i32, i32
  }
  func.func @transform_4(%arg0: i32) -> (i32, i32) {
    %c0_i32 = arith.constant 0 : i32
    %c0_i32_0 = arith.constant 0 : i32
    %c0_i32_1 = arith.constant 0 : i32
    return %c0_i32, %c0_i32_0 : i32, i32
  }
  func.func @transform_5(%arg0: i32) -> (i32, i32) {
    %c0_i32 = arith.constant 0 : i32
    %c0_i32_0 = arith.constant 0 : i32
    %c0_i32_1 = arith.constant 0 : i32
    return %c0_i32, %c0_i32_0 : i32, i32
  }
  func.func @transform_6(%arg0: i32) -> (i32, i32) {
    %c0_i32 = arith.constant 0 : i32
    %c0_i32_0 = arith.constant 0 : i32
    %c0_i32_1 = arith.constant 0 : i32
    return %c0_i32, %c0_i32_0 : i32, i32
  }
  func.func @transform_7(%arg0: i32) -> (i32, i32) {
    %c0_i32 = arith.constant 0 : i32
    %c0_i32_0 = arith.constant 0 : i32
    return %arg0, %c0_i32 : i32, i32
  }
  func.func @transform_8(%arg0: i32) -> (i32, i32) {
    %c0_i32 = arith.constant 0 : i32
    %c0_i32_0 = arith.constant 0 : i32
    return %arg0, %c0_i32 : i32, i32
  }
  func.func @transform_9(%arg0: i32) -> (i32, i32) {
    %c0_i32 = arith.constant 0 : i32
    %c0_i32_0 = arith.constant 0 : i32
    return %arg0, %c0_i32 : i32, i32
  }
  func.func @transform_10(%arg0: i32) -> (i32, i32) {
    %c0_i32 = arith.constant 0 : i32
    %c0_i32_0 = arith.constant 0 : i32
    return %arg0, %c0_i32 : i32, i32
  }
  func.func @transform_11(%arg0: i32) -> (i32, i32) {
    %c0_i32 = arith.constant 0 : i32
    %c0_i32_0 = arith.constant 0 : i32
    return %arg0, %c0_i32 : i32, i32
  }
}

module attributes {stable_mosaic.version = 14 : i64} {
  func.func @_ffn_kernel(%arg0: i32, %arg1: i32, %arg2: memref<64x768xf32, #tpu.memory_space<vmem>>, %arg3: memref<1x768x1536xf32, #tpu.memory_space<vmem>>, %arg4: memref<1x1x1536xf32, #tpu.memory_space<vmem>>, %arg5: memref<1x1536x768xf32, #tpu.memory_space<vmem>>, %arg6: memref<1x1x768xf32, #tpu.memory_space<vmem>>, %arg7: memref<1x64x768xf32, #tpu.memory_space<vmem>>) attributes {dimension_semantics = [#tpu.dimension_semantics<arbitrary>, #tpu.dimension_semantics<arbitrary>], iteration_bounds = array<i64: 64, 2>, scalar_prefetch = 0 : i64, scratch_operands = 0 : i64, tpu.core_type = #tpu.core_type<tc>, window_params = [{transform_indices = @transform_0, window_bounds = array<i64: 64, 768>}, {transform_indices = @transform_1, window_bounds = array<i64: 1, 768, 1536>}, {transform_indices = @transform_2, window_bounds = array<i64: 1, 1, 1536>}, {transform_indices = @transform_3, window_bounds = array<i64: 1, 1536, 768>}, {transform_indices = @transform_4, window_bounds = array<i64: 1, 1, 768>}, {transform_indices = @transform_5, window_bounds = array<i64: 1, 64, 768>}]} {
    %get3A = arith.constant 0 : index
    %get3A_0 = arith.constant 0 : index
    %get3A_1 = vector.load %arg2[%get3A, %get3A_0] : memref<64x768xf32, #tpu.memory_space<vmem>>, vector<64x768xf32>
    %get3A_2 = arith.constant 0 : index
    %get3A_3 = arith.constant 0 : index
    %get3A_4 = arith.constant 0 : index
    %get3A_5 = vector.load %arg3[%get3A_2, %get3A_3, %get3A_4] : memref<1x768x1536xf32, #tpu.memory_space<vmem>>, vector<1x768x1536xf32>
    %get3A_6 = vector.shape_cast %get3A_5 : vector<1x768x1536xf32> to vector<768x1536xf32>
    %dot_general3A = arith.constant dense<0.000000e+00> : vector<64x1536xf32>
    %dot_general3A_7 = tpu.matmul %get3A_1, %get3A_6, %dot_general3A {dimension_numbers = #tpu.dot_dimension_numbers<[1], [0], [0], [1], [0, 0, 1, 1], [], []>, transpose_lhs_hint = false} : vector<64x768xf32>, vector<768x1536xf32>, vector<64x1536xf32> -> vector<64x1536xf32>
    %get3A_8 = arith.constant 0 : index
    %get3A_9 = arith.constant 0 : index
    %get3A_10 = arith.constant 0 : index
    %get3A_11 = vector.load %arg4[%get3A_8, %get3A_9, %get3A_10] : memref<1x1x1536xf32, #tpu.memory_space<vmem>>, vector<1x1x1536xf32>
    %get3A_12 = vector.shape_cast %get3A_11 : vector<1x1x1536xf32> to vector<1x1536xf32>
    %add3A = vector.broadcast %get3A_12 : vector<1x1536xf32> to vector<64x1536xf32>
    %add3A_13 = arith.addf %dot_general3A_7, %add3A : vector<64x1536xf32>
    %mul3A = arith.constant 5.000000e-01 : f32
    %mul3A_14 = vector.broadcast %mul3A : f32 to vector<64x1536xf32>
    %mul3A_15 = arith.mulf %mul3A_14, %add3A_13 : vector<64x1536xf32>
    %mul3A_16 = arith.constant 0.707106769 : f32
    %mul3A_17 = vector.broadcast %mul3A_16 : f32 to vector<64x1536xf32>
    %mul3A_18 = arith.mulf %add3A_13, %mul3A_17 : vector<64x1536xf32>
    %erf3A = math.erf %mul3A_18 : vector<64x1536xf32>
    %add3A_19 = arith.constant 1.000000e+00 : f32
    %add3A_20 = vector.broadcast %add3A_19 : f32 to vector<64x1536xf32>
    %add3A_21 = arith.addf %add3A_20, %erf3A : vector<64x1536xf32>
    %mul3A_22 = arith.mulf %mul3A_15, %add3A_21 : vector<64x1536xf32>
    %get3A_23 = arith.constant 0 : index
    %get3A_24 = arith.constant 0 : index
    %get3A_25 = arith.constant 0 : index
    %get3A_26 = vector.load %arg5[%get3A_23, %get3A_24, %get3A_25] : memref<1x1536x768xf32, #tpu.memory_space<vmem>>, vector<1x1536x768xf32>
    %get3A_27 = vector.shape_cast %get3A_26 : vector<1x1536x768xf32> to vector<1536x768xf32>
    %dot_general3A_28 = arith.constant dense<0.000000e+00> : vector<64x768xf32>
    %dot_general3A_29 = tpu.matmul %mul3A_22, %get3A_27, %dot_general3A_28 {dimension_numbers = #tpu.dot_dimension_numbers<[1], [0], [0], [1], [0, 0, 1, 1], [], []>, transpose_lhs_hint = false} : vector<64x1536xf32>, vector<1536x768xf32>, vector<64x768xf32> -> vector<64x768xf32>
    %eq3A = arith.constant 0 : i32
    %eq3A_30 = arith.cmpi eq, %arg1, %eq3A : i32
    %convert_element_type3A = arith.extui %eq3A_30 : i1 to i32
    %cond3A = arith.constant 0 : i32
    %cond3A_31 = arith.cmpi ne, %convert_element_type3A, %cond3A : i32
    scf.if %cond3A_31 {
      %get3A_36 = arith.constant 0 : index
      %get3A_37 = arith.constant 0 : index
      %get3A_38 = arith.constant 0 : index
      %get3A_39 = vector.load %arg6[%get3A_36, %get3A_37, %get3A_38] : memref<1x1x768xf32, #tpu.memory_space<vmem>>, vector<1x1x768xf32>
      %get3A_40 = vector.shape_cast %get3A_39 : vector<1x1x768xf32> to vector<1x768xf32>
      %add3A_41 = vector.broadcast %get3A_40 : vector<1x768xf32> to vector<64x768xf32>
      %add3A_42 = arith.addf %dot_general3A_29, %add3A_41 : vector<64x768xf32>
      %swap3A = arith.constant 0 : index
      %swap3A_43 = arith.constant 0 : index
      %swap3A_44 = arith.constant 0 : index
      %swap3A_45 = vector.load %arg7[%swap3A, %swap3A_43, %swap3A_44] : memref<1x64x768xf32, #tpu.memory_space<vmem>>, vector<1x64x768xf32>
      %swap3A_46 = vector.shape_cast %swap3A_45 : vector<1x64x768xf32> to vector<64x768xf32>
      %swap3A_47 = vector.shape_cast %add3A_42 : vector<64x768xf32> to vector<1x64x768xf32>
      tpu.vector_store %arg7[%swap3A, %swap3A_43, %swap3A_44], %swap3A_47 {strides = array<i32>} : memref<1x64x768xf32, #tpu.memory_space<vmem>>, vector<1x64x768xf32>,
    } else {
    }
    %gt3A = arith.constant 0 : i32
    %gt3A_32 = arith.cmpi sgt, %arg1, %gt3A : i32
    %convert_element_type3A_33 = arith.extui %gt3A_32 : i1 to i32
    %cond3A_34 = arith.constant 0 : i32
    %cond3A_35 = arith.cmpi ne, %convert_element_type3A_33, %cond3A_34 : i32
    scf.if %cond3A_35 {
      %get3A_36 = arith.constant 0 : index
      %get3A_37 = arith.constant 0 : index
      %get3A_38 = arith.constant 0 : index
      %get3A_39 = vector.load %arg7[%get3A_36, %get3A_37, %get3A_38] : memref<1x64x768xf32, #tpu.memory_space<vmem>>, vector<1x64x768xf32>
      %get3A_40 = vector.shape_cast %get3A_39 : vector<1x64x768xf32> to vector<64x768xf32>
      %add3A_41 = arith.addf %get3A_40, %dot_general3A_29 : vector<64x768xf32>
      %swap3A = arith.constant 0 : index
      %swap3A_42 = arith.constant 0 : index
      %swap3A_43 = arith.constant 0 : index
      %swap3A_44 = vector.load %arg7[%swap3A, %swap3A_42, %swap3A_43] : memref<1x64x768xf32, #tpu.memory_space<vmem>>, vector<1x64x768xf32>
      %swap3A_45 = vector.shape_cast %swap3A_44 : vector<1x64x768xf32> to vector<64x768xf32>
      %swap3A_46 = vector.shape_cast %add3A_41 : vector<64x768xf32> to vector<1x64x768xf32>
      tpu.vector_store %arg7[%swap3A, %swap3A_42, %swap3A_43], %swap3A_46 {strides = array<i32>} : memref<1x64x768xf32, #tpu.memory_space<vmem>>, vector<1x64x768xf32>,
    } else {
    }
    return
  }
  func.func @transform_0(%arg0: i32, %arg1: i32) -> (i32, i32) {
    %c0_i32 = arith.constant 0 : i32
    %c0_i32_0 = arith.constant 0 : i32
    return %arg0, %c0_i32 : i32, i32
  }
  func.func @transform_1(%arg0: i32, %arg1: i32) -> (i32, i32, i32) {
    %c0_i32 = arith.constant 0 : i32
    %c0_i32_0 = arith.constant 0 : i32
    return %arg0, %c0_i32, %arg1 : i32, i32, i32
  }
  func.func @transform_2(%arg0: i32, %arg1: i32) -> (i32, i32, i32) {
    %c0_i32 = arith.constant 0 : i32
    %c0_i32_0 = arith.constant 0 : i32
    return %arg0, %c0_i32, %arg1 : i32, i32, i32
  }
  func.func @transform_3(%arg0: i32, %arg1: i32) -> (i32, i32, i32) {
    %c0_i32 = arith.constant 0 : i32
    %c0_i32_0 = arith.constant 0 : i32
    return %arg0, %arg1, %c0_i32 : i32, i32, i32
  }
  func.func @transform_4(%arg0: i32, %arg1: i32) -> (i32, i32, i32) {
    %c0_i32 = arith.constant 0 : i32
    %c0_i32_0 = arith.constant 0 : i32
    %c0_i32_1 = arith.constant 0 : i32
    return %arg0, %c0_i32, %c0_i32_0 : i32, i32, i32
  }
  func.func @transform_5(%arg0: i32, %arg1: i32) -> (i32, i32, i32) {
    %c0_i32 = arith.constant 0 : i32
    %c0_i32_0 = arith.constant 0 : i32
    %c0_i32_1 = arith.constant 0 : i32
    return %arg0, %c0_i32, %c0_i32_0 : i32, i32, i32
  }
}

module attributes {stable_mosaic.version = 14 : i64} {
  func.func @_epi_kernel(%arg0: i32, %arg1: memref<512x768xf32, #tpu.memory_space<vmem>>, %arg2: memref<512x768xf32, #tpu.memory_space<vmem>>, %arg3: memref<512x1xf32, #tpu.memory_space<vmem>>, %arg4: memref<512x768xf32, #tpu.memory_space<vmem>>) attributes {dimension_semantics = [#tpu.dimension_semantics<arbitrary>], iteration_bounds = array<i64: 8>, scalar_prefetch = 0 : i64, scratch_operands = 0 : i64, tpu.core_type = #tpu.core_type<tc>, window_params = [{transform_indices = @transform_0, window_bounds = array<i64: 512, 768>}, {transform_indices = @transform_1, window_bounds = array<i64: 512, 768>}, {transform_indices = @transform_2, window_bounds = array<i64: 512, 1>}, {transform_indices = @transform_3, window_bounds = array<i64: 512, 768>}]} {
    %get3A = arith.constant 0 : index
    %get3A_0 = arith.constant 0 : index
    %get3A_1 = vector.load %arg1[%get3A, %get3A_0] : memref<512x768xf32, #tpu.memory_space<vmem>>, vector<512x768xf32>
    %get3A_2 = arith.constant 0 : index
    %get3A_3 = arith.constant 0 : index
    %get3A_4 = vector.load %arg2[%get3A_2, %get3A_3] : memref<512x768xf32, #tpu.memory_space<vmem>>, vector<512x768xf32>
    %get3A_5 = arith.constant 0 : index
    %get3A_6 = arith.constant 0 : index
    %get3A_7 = vector.load %arg3[%get3A_5, %get3A_6] : memref<512x1xf32, #tpu.memory_space<vmem>>, vector<512x1xf32>
    %mul3A = vector.broadcast %get3A_7 : vector<512x1xf32> to vector<512x768xf32>
    %mul3A_8 = arith.mulf %get3A_4, %mul3A : vector<512x768xf32>
    %add3A = arith.addf %get3A_1, %mul3A_8 : vector<512x768xf32>
    %swap3A = arith.constant 0 : index
    %swap3A_9 = arith.constant 0 : index
    %swap3A_10 = vector.load %arg4[%swap3A, %swap3A_9] : memref<512x768xf32, #tpu.memory_space<vmem>>, vector<512x768xf32>
    tpu.vector_store %arg4[%swap3A, %swap3A_9], %add3A {strides = array<i32>} : memref<512x768xf32, #tpu.memory_space<vmem>>, vector<512x768xf32>,
    return
  }
  func.func @transform_0(%arg0: i32) -> (i32, i32) {
    %c0_i32 = arith.constant 0 : i32
    %c0_i32_0 = arith.constant 0 : i32
    return %arg0, %c0_i32 : i32, i32
  }
  func.func @transform_1(%arg0: i32) -> (i32, i32) {
    %c0_i32 = arith.constant 0 : i32
    %c0_i32_0 = arith.constant 0 : i32
    return %arg0, %c0_i32 : i32, i32
  }
  func.func @transform_2(%arg0: i32) -> (i32, i32) {
    %c0_i32 = arith.constant 0 : i32
    %c0_i32_0 = arith.constant 0 : i32
    return %arg0, %c0_i32 : i32, i32
  }
  func.func @transform_3(%arg0: i32) -> (i32, i32) {
    %c0_i32 = arith.constant 0 : i32
    %c0_i32_0 = arith.constant 0 : i32
    return %arg0, %c0_i32 : i32, i32
  }
}

</mosaic_0001>

<sc_bundles>
// kernel: kernel.12.cloned.1.call-start
scs
__scs_entry_jumppad:
0x0: {  	(pc) =	sbr.rel $0x88, $3  }
0x1: {  	(tag) =	ssettag $0x0;
	lr =	simm.s32 $0x1  }
0x2: {  	[smem:$0x3F93] =	sst lr;
	_ =	strace $0xD0000000  }
0x3: {  	_ = 	snop  }
0x4: {  	_ = 	snop  }
0x5: {  	_ = 	snop  }
0x6: {  	_ = 	snop  }
0x7: {  	_ = 	snop  }
__scs_overlays_trampoline_lowered:
0x8: {  	[smem:$0x3FA2] =	sst s0  }
0x9: {  	[smem:$0x3FA3] =	sst s1  }
0xa: {  	[smem:$0x3FA4] =	sst s2  }
0xb: {  	[smem:$0x3FA5] =	sst s3  }
0xc: {  	[smem:$0x3FA6] =	sst s4  }
0xd: {  	[smem:$0x3FA7] =	sst s5  }
0xe: {  	[smem:$0x3FA8] =	sst s6  }
0xf: {  	[smem:$0x3FA9] =	sst s7  }
0x10: {  	[smem:$0x3FAA] =	sst s8  }
0x11: {  	[smem:$0x3FAB] =	sst s9;
	s0 =	simm.s32 @!p0 $0x0  }
0x12: {  	s1 =	sld [smem:$0x3F91];
	s0 =	simm.s32 @p0 $0x1  }
0x13: {  	[smem:$0x3FAC] =	sst s0;
	s0 =	simm.s32 @!p1 $0x0  }
0x14: {  	s2 =	sld [smem:$0x3F90];
	s0 =	simm.s32 @p1 $0x1  }
0x15: {  	[smem:$0x3FAD] =	sst s0;
	s0 =	simm.s32 @!p2 $0x0  }
0x16: {  	s3 =	sld [smem:$0x3FDB];
	s0 =	simm.s32 @p2 $0x1  }
0x17: {  	s4 =	simm.s32 $0x1BF5;
	[smem:$0x3FAF] =	sst s0  }
0x18: {  	s0 =	sld [smem:$0x3F92];
	_ =	swait.ge [sflag:s4], $0x0  }
0x19: {  	s7 =	sld [smem:$0x3F93]  }
0x1a: {  	s8 =	sadd.s32 $0xFFFFE003, lr  }
0x1b: {  	s9 =	sadd.s32 $0xFFFFFEF7, lr;
	s5 =	simm.s32 $0xFFFFFFFF;
	p2 =	slt.u32 s8, $0xFFFFF086  }
0x1c: {  	p1 =	slt.u32 s9, $0xF7A;
	s5 =	simm.s32 @!p2 $0x0  }
0x1d: {  	s5 =	simm.s32 @p1 $0x1;
	p0 =	seq.s32 s7, s2  }
0x1e: {  	s7 =	smul.u32 @!p0 $0xF7A, s2;
	p2 =	seq.s32 @!p0 s5, $0x0  }
0x1f: {  	s9 =	smul.u32 $0xF7A, s1;
	s8 =	simm.s32 @!p0 $0x1BF5;
	p2 =	por !p2, p0  }
0x20: {  	[sflag:s8] =	ssyncset.s32 @!p0 $0xFFFFF086;
	s6 =	sadd.s32 @!p0 s3, s7;
	s7 =	simm.s32 @!p0 $0x108  }
0x21: {  	s3 =	sadd.s32 s3, s9;
	s6 =	sadd.s32 @!p0 $0x88, s6;
	s7 =	simm.s32 @p2 $0x1082  }
0x22: {  	[simem:s7], [sflag:s8] =	dma.local @!p0 [hbm:s6], $0xF7A  }
0x23: {  	s9 =	sor.u32 $0xD0000000, s2;
	s6 =	simm.s32 $0x108;
	_ =	swait.ge @!p0 [sflag:s8], $0x0  }
0x24: {  	s3 =	sadd.s32 $0x88, s3;
	s6 =	simm.s32 @!p1 $0x1082;
	[sflag:s4] =	ssyncset.s32 $0xFFFFF086  }
0x25: {  	[simem:s6], [sflag:s4] =	dma.local [hbm:s3], $0xF7A  }
0x26: {  	[smem:$0x3F93] =	sst s1;
	(tag) =	ssettag s2;
	_ =	strace s9  }
0x27: {  	s1 =	sld [smem:$0x3FA3]  }
0x28: {  	s2 =	sld [smem:$0x3FA4]  }
0x29: {  	s4 =	sld [smem:$0x3FA6]  }
0x2a: {  	p0 =	seq.s32 s5, $0x0;
	s5 =	sld [smem:$0x3FA7]  }
0x2b: {  	s6 =	sld [smem:$0x3FA8]  }
0x2c: {  	s7 =	sld [smem:$0x3FA9]  }
0x2d: {  	s3 =	simm.s32 $0x108;
	s8 =	sld [smem:$0x3FAA]  }
0x2e: {  	s3 =	simm.s32 @!p0 $0x1082;
	s9 =	sld [smem:$0x3FAB]  }
0x2f: {  	lr =	sadd.s32 s0, s3;
	s0 =	sld [smem:$0x3FA2]  }
0x30: {  	s3 =	sld [smem:$0x3FA5]  }
0x31: {  	[smem:$0x3FAE] =	sst s10  }
0x32: {  	s10 =	sld [smem:$0x3FAC];
	_ =	sdelay $0x3  }
0x33: {  	p0 =	seq.s32 s10, $0x1;
	s10 =	sld [smem:$0x3FAE];
	_ =	sdelay $0x3  }
0x34: {  	[smem:$0x3FAE] =	sst s10  }
0x35: {  	s10 =	sld [smem:$0x3FAD];
	_ =	sdelay $0x3  }
0x36: {  	p1 =	seq.s32 s10, $0x1;
	s10 =	sld [smem:$0x3FAE];
	_ =	sdelay $0x3  }
0x37: {  	[smem:$0x3FAE] =	sst s10  }
0x38: {  	s10 =	sld [smem:$0x3FAF]  }
0x39: {  	_ = 	snop;
	(pc) =	sbr.ind lr, $3  }
0x3a: {  	_ = 	snop  }
0x3b: {  	_ = 	snop  }
0x3c: {  	p2 =	seq.s32 s10, $0x1;
	s10 =	sld [smem:$0x3FAE]  }
0x3d: {  	_ =	shalt  }
0x3e: {  	_ =	shalt  }
0x3f: {  	_ =	shalt  }
0x40: {  	_ =	shalt  }
0x41: {  	_ =	shalt  }
0x42: {  	_ =	shalt  }
0x43: {  	_ =	shalt  }
0x44: {  	_ =	shalt  }
0x45: {  	_ =	shalt  }
0x46: {  	_ =	shalt  }
0x47: {  	_ =	shalt  }
0x48: {  	_ =	shalt  }
0x49: {  	_ =	shalt  }
0x4a: {  	_ =	shalt  }
0x4b: {  	_ =	shalt  }
0x4c: {  	_ =	shalt  }
0x4d: {  	_ =	shalt  }
0x4e: {  	_ =	shalt  }
0x4f: {  	_ =	shalt  }
0x50: {  	_ =	shalt  }
0x51: {  	_ =	shalt  }
0x52: {  	_ =	shalt  }
0x53: {  	_ =	shalt  }
0x54: {  	_ =	shalt  }
0x55: {  	_ =	shalt  }
0x56: {  	_ =	shalt  }
0x57: {  	_ =	shalt  }
0x58: {  	_ =	shalt  }
0x59: {  	_ =	shalt  }
0x5a: {  	_ =	shalt  }
0x5b: {  	_ =	shalt  }
0x5c: {  	_ =	shalt  }
0x5d: {  	_ =	shalt  }
0x5e: {  	_ =	shalt  }
0x5f: {  	_ =	shalt  }
0x60: {  	_ =	shalt  }
0x61: {  	_ =	shalt  }
0x62: {  	_ =	shalt  }
0x63: {  	_ =	shalt  }
0x64: {  	_ =	shalt  }
0x65: {  	_ =	shalt  }
0x66: {  	_ =	shalt  }
0x67: {  	_ =	shalt  }
0x68: {  	_ =	shalt  }
0x69: {  	_ =	shalt  }
0x6a: {  	_ =	shalt  }
0x6b: {  	_ =	shalt  }
0x6c: {  	_ =	shalt  }
0x6d: {  	_ =	shalt  }
0x6e: {  	_ =	shalt  }
0x6f: {  	_ =	shalt  }
0x70: {  	_ =	shalt  }
0x71: {  	_ =	shalt  }
0x72: {  	_ =	shalt  }
0x73: {  	_ =	shalt  }
0x74: {  	_ =	shalt  }
0x75: {  	_ =	shalt  }
0x76: {  	_ =	shalt  }
0x77: {  	_ =	shalt  }
0x78: {  	_ =	shalt  }
0x79: {  	_ =	shalt  }
0x7a: {  	_ =	shalt  }
0x7b: {  	_ =	shalt  }
0x7c: {  	_ =	shalt  }
0x7d: {  	_ =	shalt  }
0x7e: {  	_ =	shalt  }
0x7f: {  	_ =	shalt  }
0x80: {  	_ =	shalt  }
0x81: {  	_ =	shalt  }
0x82: {  	_ =	shalt  }
0x83: {  	_ =	shalt  }
0x84: {  	_ =	shalt  }
0x85: {  	_ =	shalt  }
0x86: {  	_ =	shalt  }
0x87: {  	_ =	shalt  }
.Lfunc_end0:
.L_simem_size_0:
called_computation.1_lowered:
.L_overlay_start_0:
0x88: {  	s2 =	sld [smem:$0x3FD9]  }
0x89: {  	s3 =	sld [smem:$0x3FFE];
	_ =	sdelay $0x1  }
0x8a: {  	s1 =	srdreg.scid  }
0x8b: {  	s0 =	sand.u32 $0x1, s1  }
0x8c: {  	s16 =	sshll.u32 s0, $0xA;
	s2 =	sadd.s32 s3, s2  }
0x8d: {  	s2 =	sadd.s32 s2, s16  }
0x8e: {  	[smem:$0x3FBA] =	sst s2  }
0x8f: {  	_ = 	snop  }
0x90: {  	(tm) =	ssettm $0x1  }
0x91: {  	s17 =	sld [smem:$0x3FFB];
	_ =	sdelay $0x3  }
0x92: {  	_ =	strace s17  }
0x93: {  	s2 =	sld [smem:$0x3FFC];
	_ =	sdelay $0x3  }
0x94: {  	_ =	strace s2  }
0x95: {  	s2 =	sld [smem:$0x3FFD];
	_ =	sdelay $0x3  }
0x96: {  	_ =	strace s2  }
0x97: {  	_ =	strace $0x8FFFFFFF  }
0x98: {  	s18 =	sld [smem:$0x3FDB];
	_ =	sdelay $0x1  }
0x99: {  	s19 =	simm.s32 $_scs_section_size  }
0x9a: {  	s4 =	simm.s32 $_size__tile_overlayer_lowered;
	s5 =	simm.s32 $_tile_overlayer_lowered  }
0x9b: {  	s22 =	simm.s32 $0x1BFF;
	s21 =	sshll.u32 s5, $0x1;
	s2 =	sadd.s32 s19, s18  }
0x9c: {  	s6 =	simm.s32 $0x0;
	s20 =	sshll.u32 s4, $0x1;
	s4 =	sadd.s32 s21, s2  }
0x9d: {  	[timem:s6], [sflag:s22] =	dma.local [hbm:s4], s20  }
0x9e: {  	_ =	swait.ge [sflag:s22], s20  }
0x9f: {  	s3 =	ssub.s32 $0x0, s20;
	[sflag:s22] =	ssyncset.done $0x0  }
0xa0: {  	[sflag:s22] =	ssyncadd.s32 s3;
	_ =	sdelay $0x1  }
0xa1: {  	s23 =	simm.s32 $0x1B8B  }
0xa2: {  	_ =	swait.ge [sflag:s23], $0x1  }
0xa3: {  	[sflag:s23] =	ssyncset.done $0x0  }
0xa4: {  	s25 =	simm.s32 $0x1B8E;
	s24 =	sld [smem:$0x3FFE];
	[sflag:s23] =	ssyncadd.s32 $0xFFFFFFFF  }
0xa5: {  	s26 =	simm.s32 $execute0_lowered;
	[smem:$0x3FD2] =	sst s25  }
0xa6: {  	s4 =	sshll.u32 s26, $0x1;
	_ =	strace $0x80000049;
	[dreg:$0x1] =	wrdreg $0xFFFFFFFF  }
0xa7: {  	s28 =	simm.s32 $_size_execute0_lowered;
	s2 =	sadd.s32 s2, s4;
	[dreg:$0x0] =	wrdreg $0x0  }
0xa8: {  	s4 =	sshll.u32 s28, $0x1;
	[dreg:$0x2] =	wrdreg s2  }
0xa9: {  	[dreg:$0x3] =	wrdreg s4  }
0xaa: {  	[dreg:$0x4] =	wrdreg $0xC0  }
0xab: {  	_ =	task [dreg:s6], $0x5FFFF  }
0xac: {  	[dreg:$0x1] =	wrdreg $0xFFFFFFFF  }
0xad: {  	[dreg:$0x0] =	wrdreg $0x60  }
0xae: {  	[dreg:$0x2] =	wrdreg s24  }
0xaf: {  	[dreg:$0x3] =	wrdreg $0x9  }
0xb0: {  	_ =	task.clear_ibuf [dreg:s6], $0x4FFFF;
	_ =	strace $0x90000049  }
0xb1: {  	s29 =	simm.s32 $0x9;
	_ =	strace $0x8000004B  }
0xb2: {  	_ =	swait.ge [sflag:s29], $0x1  }
0xb3: {  	[sflag:s29] =	ssyncadd.s32 $0xFFFFFFFF  }
0xb4: {  	_ =	strace $0x9000004B  }
0xb5: {  	_ =	sfence  }
0xb6: {  	s30 =	sld [smem:$0x0];
	_ =	sdelay $0x2  }
0xb7: {  	s31 =	sshll.u32 s1, $0xD;
	s1 =	sshrl.u32 s1, $0x2  }
0xb8: {  	s3 =	sand.u32 $0x4000, s31;
	s1 =	sadd.s32 s1, s30  }
0xb9: {  	s0 =	sor.u32 s3, s0;
	s1 =	sshll.u32 s1, $0x11  }
0xba: {  	s0 =	sor.u32 s1, s0  }
0xbb: {  	s0 =	sadd.s32 $0x8F2B, s0  }
0xbc: {  	[sflag:s0] =	ssyncadd.remote.s32 $0x1  }
0xbd: {  	_ =	sfence.sel $0xFFFF  }
0xbe: {  	[dreg:$0x0] =	wrdreg $0xFFFFFFFF;
	(pc) =	sbr.abs _section_cstart, $3  }
0xbf: {  	[dreg:$0x1] =	wrdreg $0xFFFFFFFF  }
0xc0: {  	_ =	task.clear_ibuf [dreg:s6], $0x2FFFF;
	_ =	strace $0x9FFFFFFF  }
0xc1: {  	(tm) =	ssettm $0x7FFFFFFF  }
tec
execute0_lowered:
.L_overlay_start_1:
0x0: {  	(tag) =	ssettag $0x1  }
0x1: {  	s1 =	srdreg.scid  }
0x2: {  	s0 =	stileid.u32;
	s1 =	sand.u32 $0x1, s1  }
0x3: {  	s2 =	sshll.u32 s0, $0x5;
	s3 =	sshll.u32 s1, $0x4  }
0x4: {  	s5 =	rddreg [dreg:$0x0];
	s3 =	sor.u32 s3, s2;
	s2 =	simm.s32 $0x0  }
0x5: {  	s26 =	simm.s32 $0x880;
	[smem:$0x7FF] =	sst s2  }
0x6: {  	s0 =	simm.s32 $0x1080;
	_ =	strace $0x8000004A;
	[dreg:$0x4] =	wrdreg s26  }
0x7: {  	s6 =	simm.s32 $0x2080;
	[dreg:$0x5] =	wrdreg s0  }
0x8: {  	s7 =	simm.s32 $0x2880;
	[dreg:$0x7] =	wrdreg s6  }
0x9: {  	s8 =	simm.s32 $0x3080;
	[dreg:$0x8] =	wrdreg s7  }
0xa: {  	s9 =	simm.s32 $0x3880;
	[dreg:$0x9] =	wrdreg s8  }
0xb: {  	s10 =	simm.s32 $0x4080;
	[dreg:$0xa] =	wrdreg s9  }
0xc: {  	s11 =	simm.s32 $0x4880;
	[dreg:$0xb] =	wrdreg s10  }
0xd: {  	s12 =	simm.s32 $0x5080;
	[dreg:$0xc] =	wrdreg s11  }
0xe: {  	s13 =	simm.s32 $0x5880;
	[dreg:$0xd] =	wrdreg s12  }
0xf: {  	s14 =	simm.s32 $0x6080;
	[dreg:$0xe] =	wrdreg s13  }
0x10: {  	s15 =	simm.s32 $0x6880;
	[dreg:$0xf] =	wrdreg s14  }
0x11: {  	s16 =	simm.s32 $0x7080;
	[dreg:$0x10] =	wrdreg s15  }
0x12: {  	s17 =	simm.s32 $0x7880;
	s18 =	simm.s32 $0x8080;
	[dreg:$0x11] =	wrdreg s16  }
0x13: {  	s19 =	simm.s32 $0x8880;
	s20 =	simm.s32 $0x9080;
	[dreg:$0x12] =	wrdreg s17  }
0x14: {  	s21 =	simm.s32 $0x9880;
	s22 =	simm.s32 $0xA080;
	[dreg:$0x13] =	wrdreg s18  }
0x15: {  	s23 =	simm.s32 $0xA880;
	s24 =	simm.s32 $0xB880;
	[dreg:$0x14] =	wrdreg s19  }
0x16: {  	s28 =	simm.s32 $0x16080;
	s29 =	simm.s32 $0x16880;
	[dreg:$0x15] =	wrdreg s20  }
0x17: {  	s30 =	simm.s32 $0x17080;
	s31 =	simm.s32 $0x17880;
	[dreg:$0x16] =	wrdreg s21  }
0x18: {  	s4 =	smul.u32 $0x300, s3;
	s3 =	sadd.s32 s3, s5;
	[dreg:$0x17] =	wrdreg s22  }
0x19: {  	s1 =	ssub.s32 $0x2, s1;
	s3 =	sadd.s32 $0xD4200, s3;
	[dreg:$0x18] =	wrdreg s23  }
0x1a: {  	s6 =	sshrl.u32 s1, $0x1;
	s7 =	simm.s32 $0xB080;
	[dreg:$0x1a] =	wrdreg s24  }
0x1b: {  	s8 =	simm.s32 $0x80;
	s26 =	simm.s32 $0xC880;
	s10 =	simm.s32 $0xD880  }
0x1c: {  	s11 =	simm.s32 $0xE080;
	s12 =	simm.s32 $0xE880;
	s13 =	simm.s32 $0xF080  }
0x1d: {  	s14 =	simm.s32 $0xF880;
	s15 =	simm.s32 $0x10080;
	s16 =	simm.s32 $0x10880  }
0x1e: {  	s17 =	simm.s32 $0x11080;
	s18 =	simm.s32 $0x11880;
	s19 =	simm.s32 $0x12080  }
0x1f: {  	s20 =	simm.s32 $0x12880;
	s21 =	simm.s32 $0x13080;
	s22 =	simm.s32 $0x13880  }
0x20: {  	s23 =	simm.s32 $0x14080;
	s24 =	simm.s32 $0x14880;
	[dreg:$0x2] =	wrdreg s3  }
0x21: {  	s4 =	sadd.s32 s4, s5;
	s3 =	sadd.s32 $0x2800, s5;
	[dreg:$0x19] =	wrdreg s7  }
0x22: {  	s1 =	ssub.s32 s1, s6;
	s7 =	simm.s32 $0x2;
	[dreg:$0x1c] =	wrdreg s26  }
0x23: {  	s26 =	simm.s32 $0x15880;
	s25 =	sadd.s32 $0x72800, s4;
	s4 =	simm.s32 $0x1880  }
0x24: {  	v2 =	vlaneseq.u32;
	s6 =	smax.u32 s1, $0x1;
	s1 =	simm.s32 $0x1;
	[dreg:$0x3] =	wrdreg s25  }
0x25: {  	vm0 =	vmmov $0xffff;
	v1 =	vshrl.u32 v2, $0x3;
	[dreg:$0x6] =	wrdreg s4;
	s4 =	sadd.s32 $0x2900, s5;
	s25 =	simm.s32 $0xC080  }
0x26: {  	v0 =	vand.u32 $0x7, v2;
	v2 =	vor.u32 $0x8, v2;
	v1 =	vmul.u32 $0x8, v1;
	s5 =	sadd.s32 $0x2A00, s5;
	[dreg:$0x1b] =	wrdreg s25;
	s25 =	simm.s32 $0x15080  }
.LBB2_1:
0x27: {  	s0 =	rddreg [dreg:$0x2]  }
0x28: {  	[tilespmem:s2], [sflag:$0x2] =	stream.linear.gather [hbm4b:s0+s2], $0x80, $0x38;
	[tilespmem:$0x18080] =	vst v63  }
0x29: {  	_ =	swait.ge [sflag:s7], $0x80  }
0x2a: {  	[sflag:s7] =	ssyncset.done $0x0  }
0x2b: {  	[sflag:s7] =	ssyncadd.s32 $0xFFFFFF80  }
0x2c: {  	v3 =	vld [tilespmem:$0x0];
	_ =	sdelay $0x4  }
0x2d: {  	v4 =	vshrl.u32 v3, $0x3  }
0x2e: {  	v4 =	vmul.u32 $0x30, v4  }
0x2f: {  	v3 =	vand.u32 $0x7, v3  }
0x30: {  	v3 =	vor.u32 v3, v4  }
0x31: {  	v4 =	vperm.xlane v3, v0;
	_ =	sdelay $0x1  }
0x32: {  	v4 =	vadd.s32 v1, v4;
	_ =	sdelay $0x3  }
0x33: {  	v3 =	vperm.xlane v3, v2  }
0x34: {  	[tilespmem:s8], [sflag:$0x1] =	stream.indirect_vreg.gather [hbm4b:s3+s2], $0x80, v4, vm0, $0xb8;
	[tilespmem:$0x18080] =	vst v63  }
0x35: {  	s0 =	rddreg [dreg:$0x4];
	v3 =	vadd.s32 v1, v3  }
0x36: {  	[tilespmem:s0], [sflag:$0x1] =	stream.indirect_vreg.gather [hbm4b:s4+s2], $0x80, v4, vm0, $0xb8;
	[tilespmem:$0x18080] =	vst v63  }
0x37: {  	s9 =	rddreg [dreg:$0x5]  }
0x38: {  	[tilespmem:s9], [sflag:$0x1] =	stream.indirect_vreg.gather [hbm4b:s5+s2], $0x80, v4, vm0, $0xb8;
	[tilespmem:$0x18080] =	vst v63  }
0x39: {  	s0 =	rddreg [dreg:$0x6]  }
0x3a: {  	[tilespmem:s0], [sflag:$0x1] =	stream.indirect_vreg.gather [hbm4b:s3+s2], $0x80, v3, vm0, $0xb8;
	[tilespmem:$0x18080] =	vst v63  }
0x3b: {  	s9 =	rddreg [dreg:$0x7]  }
0x3c: {  	[tilespmem:s9], [sflag:$0x1] =	stream.indirect_vreg.gather [hbm4b:s4+s2], $0x80, v3, vm0, $0xb8;
	[tilespmem:$0x18080] =	vst v63  }
0x3d: {  	s0 =	rddreg [dreg:$0x8]  }
0x3e: {  	[tilespmem:s0], [sflag:$0x1] =	stream.indirect_vreg.gather [hbm4b:s5+s2], $0x80, v3, vm0, $0xb8;
	[tilespmem:$0x18080] =	vst v63  }
0x3f: {  	v3 =	vld [tilespmem:$0x10];
	_ =	sdelay $0x4  }
0x40: {  	v57 =	vshrl.u32 v3, $0x3  }
0x41: {  	v4 =	vmul.u32 $0x30, v57  }
0x42: {  	v3 =	vand.u32 $0x7, v3  }
0x43: {  	v3 =	vor.u32 v3, v4  }
0x44: {  	v4 =	vperm.xlane v3, v0;
	_ =	sdelay $0x1  }
0x45: {  	v4 =	vadd.s32 v1, v4;
	_ =	sdelay $0x3  }
0x46: {  	s0 =	rddreg [dreg:$0x9];
	v3 =	vperm.xlane v3, v2  }
0x47: {  	[tilespmem:s0], [sflag:$0x1] =	stream.indirect_vreg.gather [hbm4b:s3+s2], $0x80, v4, vm0, $0xb8;
	[tilespmem:$0x18080] =	vst v63  }
0x48: {  	s9 =	rddreg [dreg:$0xa];
	v3 =	vadd.s32 v1, v3  }
0x49: {  	[tilespmem:s9], [sflag:$0x1] =	stream.indirect_vreg.gather [hbm4b:s4+s2], $0x80, v4, vm0, $0xb8;
	[tilespmem:$0x18080] =	vst v63  }
0x4a: {  	s0 =	rddreg [dreg:$0xb]  }
0x4b: {  	[tilespmem:s0], [sflag:$0x1] =	stream.indirect_vreg.gather [hbm4b:s5+s2], $0x80, v4, vm0, $0xb8;
	[tilespmem:$0x18080] =	vst v63  }
0x4c: {  	s9 =	rddreg [dreg:$0xc]  }
0x4d: {  	[tilespmem:s9], [sflag:$0x1] =	stream.indirect_vreg.gather [hbm4b:s3+s2], $0x80, v3, vm0, $0xb8;
	[tilespmem:$0x18080] =	vst v63  }
0x4e: {  	s0 =	rddreg [dreg:$0xd]  }
0x4f: {  	[tilespmem:s0], [sflag:$0x1] =	stream.indirect_vreg.gather [hbm4b:s4+s2], $0x80, v3, vm0, $0xb8;
	[tilespmem:$0x18080] =	vst v63  }
0x50: {  	s9 =	rddreg [dreg:$0xe]  }
0x51: {  	[tilespmem:s9], [sflag:$0x1] =	stream.indirect_vreg.gather [hbm4b:s5+s2], $0x80, v3, vm0, $0xb8;
	[tilespmem:$0x18080] =	vst v63  }
0x52: {  	v3 =	vld [tilespmem:$0x20];
	_ =	sdelay $0x4  }
0x53: {  	v58 =	vshrl.u32 v3, $0x3  }
0x54: {  	v4 =	vmul.u32 $0x30, v58  }
0x55: {  	v3 =	vand.u32 $0x7, v3  }
0x56: {  	v3 =	vor.u32 v3, v4  }
0x57: {  	v4 =	vperm.xlane v3, v0;
	_ =	sdelay $0x1  }
0x58: {  	v4 =	vadd.s32 v1, v4;
	_ =	sdelay $0x3  }
0x59: {  	s0 =	rddreg [dreg:$0xf];
	v3 =	vperm.xlane v3, v2  }
0x5a: {  	[tilespmem:s0], [sflag:$0x1] =	stream.indirect_vreg.gather [hbm4b:s3+s2], $0x80, v4, vm0, $0xb8;
	[tilespmem:$0x18080] =	vst v63  }
0x5b: {  	s9 =	rddreg [dreg:$0x10];
	v3 =	vadd.s32 v1, v3  }
0x5c: {  	[tilespmem:s9], [sflag:$0x1] =	stream.indirect_vreg.gather [hbm4b:s4+s2], $0x80, v4, vm0, $0xb8;
	[tilespmem:$0x18080] =	vst v63  }
0x5d: {  	s0 =	rddreg [dreg:$0x11]  }
0x5e: {  	[tilespmem:s0], [sflag:$0x1] =	stream.indirect_vreg.gather [hbm4b:s5+s2], $0x80, v4, vm0, $0xb8;
	[tilespmem:$0x18080] =	vst v63  }
0x5f: {  	s9 =	rddreg [dreg:$0x12]  }
0x60: {  	[tilespmem:s9], [sflag:$0x1] =	stream.indirect_vreg.gather [hbm4b:s3+s2], $0x80, v3, vm0, $0xb8;
	[tilespmem:$0x18080] =	vst v63  }
0x61: {  	s0 =	rddreg [dreg:$0x13]  }
0x62: {  	[tilespmem:s0], [sflag:$0x1] =	stream.indirect_vreg.gather [hbm4b:s4+s2], $0x80, v3, vm0, $0xb8;
	[tilespmem:$0x18080] =	vst v63  }
0x63: {  	s9 =	rddreg [dreg:$0x14]  }
0x64: {  	[tilespmem:s9], [sflag:$0x1] =	stream.indirect_vreg.gather [hbm4b:s5+s2], $0x80, v3, vm0, $0xb8;
	[tilespmem:$0x18080] =	vst v63  }
0x65: {  	v3 =	vld [tilespmem:$0x30];
	_ =	sdelay $0x4  }
0x66: {  	v59 =	vshrl.u32 v3, $0x3  }
0x67: {  	v4 =	vmul.u32 $0x30, v59  }
0x68: {  	v3 =	vand.u32 $0x7, v3  }
0x69: {  	v3 =	vor.u32 v3, v4  }
0x6a: {  	v4 =	vperm.xlane v3, v0;
	_ =	sdelay $0x1  }
0x6b: {  	v4 =	vadd.s32 v1, v4;
	_ =	sdelay $0x3  }
0x6c: {  	s0 =	rddreg [dreg:$0x15];
	v3 =	vperm.xlane v3, v2  }
0x6d: {  	[tilespmem:s0], [sflag:$0x1] =	stream.indirect_vreg.gather [hbm4b:s3+s2], $0x80, v4, vm0, $0xb8;
	[tilespmem:$0x18080] =	vst v63  }
0x6e: {  	s9 =	rddreg [dreg:$0x16];
	v3 =	vadd.s32 v1, v3  }
0x6f: {  	[tilespmem:s9], [sflag:$0x1] =	stream.indirect_vreg.gather [hbm4b:s4+s2], $0x80, v4, vm0, $0xb8;
	[tilespmem:$0x18080] =	vst v63  }
0x70: {  	s0 =	rddreg [dreg:$0x17]  }
0x71: {  	[tilespmem:s0], [sflag:$0x1] =	stream.indirect_vreg.gather [hbm4b:s5+s2], $0x80, v4, vm0, $0xb8;
	[tilespmem:$0x18080] =	vst v63  }
0x72: {  	s9 =	rddreg [dreg:$0x18]  }
0x73: {  	[tilespmem:s9], [sflag:$0x1] =	stream.indirect_vreg.gather [hbm4b:s3+s2], $0x80, v3, vm0, $0xb8;
	[tilespmem:$0x18080] =	vst v63  }
0x74: {  	s0 =	rddreg [dreg:$0x19]  }
0x75: {  	[tilespmem:s0], [sflag:$0x1] =	stream.indirect_vreg.gather [hbm4b:s4+s2], $0x80, v3, vm0, $0xb8;
	[tilespmem:$0x18080] =	vst v63  }
0x76: {  	s9 =	rddreg [dreg:$0x1a]  }
0x77: {  	[tilespmem:s9], [sflag:$0x1] =	stream.indirect_vreg.gather [hbm4b:s5+s2], $0x80, v3, vm0, $0xb8;
	[tilespmem:$0x18080] =	vst v63  }
0x78: {  	v3 =	vld [tilespmem:$0x40];
	_ =	sdelay $0x4  }
0x79: {  	v60 =	vshrl.u32 v3, $0x3  }
0x7a: {  	v4 =	vmul.u32 $0x30, v60  }
0x7b: {  	v3 =	vand.u32 $0x7, v3  }
0x7c: {  	v3 =	vor.u32 v3, v4  }
0x7d: {  	v4 =	vperm.xlane v3, v0;
	_ =	sdelay $0x1  }
0x7e: {  	v4 =	vadd.s32 v1, v4;
	_ =	sdelay $0x3  }
0x7f: {  	s0 =	rddreg [dreg:$0x1b];
	v3 =	vperm.xlane v3, v2  }
0x80: {  	[tilespmem:s0], [sflag:$0x1] =	stream.indirect_vreg.gather [hbm4b:s3+s2], $0x80, v4, vm0, $0xb8;
	[tilespmem:$0x18080] =	vst v63  }
0x81: {  	s9 =	rddreg [dreg:$0x1c];
	v3 =	vadd.s32 v1, v3  }
0x82: {  	[tilespmem:s9], [sflag:$0x1] =	stream.indirect_vreg.gather [hbm4b:s4+s2], $0x80, v4, vm0, $0xb8;
	[tilespmem:$0x18080] =	vst v63  }
0x83: {  	s9 =	simm.s32 $0xD080  }
0x84: {  	[tilespmem:s9], [sflag:$0x1] =	stream.indirect_vreg.gather [hbm4b:s5+s2], $0x80, v4, vm0, $0xb8;
	[tilespmem:$0x18080] =	vst v63  }
0x85: {  	_ = 	snop  }
0x86: {  	[tilespmem:s10], [sflag:$0x1] =	stream.indirect_vreg.gather [hbm4b:s3+s2], $0x80, v3, vm0, $0xb8;
	[tilespmem:$0x18080] =	vst v63  }
0x87: {  	_ = 	snop  }
0x88: {  	[tilespmem:s11], [sflag:$0x1] =	stream.indirect_vreg.gather [hbm4b:s4+s2], $0x80, v3, vm0, $0xb8;
	[tilespmem:$0x18080] =	vst v63  }
0x89: {  	_ = 	snop  }
0x8a: {  	[tilespmem:s12], [sflag:$0x1] =	stream.indirect_vreg.gather [hbm4b:s5+s2], $0x80, v3, vm0, $0xb8;
	[tilespmem:$0x18080] =	vst v63  }
0x8b: {  	v3 =	vld [tilespmem:$0x50];
	_ =	sdelay $0x4  }
0x8c: {  	v61 =	vshrl.u32 v3, $0x3  }
0x8d: {  	v4 =	vmul.u32 $0x30, v61  }
0x8e: {  	v3 =	vand.u32 $0x7, v3  }
0x8f: {  	v3 =	vor.u32 v3, v4  }
0x90: {  	v4 =	vperm.xlane v3, v0;
	_ =	sdelay $0x1  }
0x91: {  	v4 =	vadd.s32 v1, v4;
	_ =	sdelay $0x3  }
0x92: {  	v3 =	vperm.xlane v3, v2  }
0x93: {  	[tilespmem:s13], [sflag:$0x1] =	stream.indirect_vreg.gather [hbm4b:s3+s2], $0x80, v4, vm0, $0xb8;
	[tilespmem:$0x18080] =	vst v63  }
0x94: {  	v3 =	vadd.s32 v1, v3  }
0x95: {  	[tilespmem:s14], [sflag:$0x1] =	stream.indirect_vreg.gather [hbm4b:s4+s2], $0x80, v4, vm0, $0xb8;
	[tilespmem:$0x18080] =	vst v63  }
0x96: {  	_ = 	snop  }
0x97: {  	[tilespmem:s15], [sflag:$0x1] =	stream.indirect_vreg.gather [hbm4b:s5+s2], $0x80, v4, vm0, $0xb8;
	[tilespmem:$0x18080] =	vst v63  }
0x98: {  	_ = 	snop  }
0x99: {  	[tilespmem:s16], [sflag:$0x1] =	stream.indirect_vreg.gather [hbm4b:s3+s2], $0x80, v3, vm0, $0xb8;
	[tilespmem:$0x18080] =	vst v63  }
0x9a: {  	_ = 	snop  }
0x9b: {  	[tilespmem:s17], [sflag:$0x1] =	stream.indirect_vreg.gather [hbm4b:s4+s2], $0x80, v3, vm0, $0xb8;
	[tilespmem:$0x18080] =	vst v63  }
0x9c: {  	_ = 	snop  }
0x9d: {  	[tilespmem:s18], [sflag:$0x1] =	stream.indirect_vreg.gather [hbm4b:s5+s2], $0x80, v3, vm0, $0xb8;
	[tilespmem:$0x18080] =	vst v63  }
0x9e: {  	v3 =	vld [tilespmem:$0x60];
	_ =	sdelay $0x4  }
0x9f: {  	v62 =	vshrl.u32 v3, $0x3  }
0xa0: {  	v4 =	vmul.u32 $0x30, v62  }
0xa1: {  	v3 =	vand.u32 $0x7, v3  }
0xa2: {  	v3 =	vor.u32 v3, v4  }
0xa3: {  	v4 =	vperm.xlane v3, v0;
	_ =	sdelay $0x1  }
0xa4: {  	v4 =	vadd.s32 v1, v4;
	_ =	sdelay $0x3  }
0xa5: {  	v3 =	vperm.xlane v3, v2  }
0xa6: {  	[tilespmem:s19], [sflag:$0x1] =	stream.indirect_vreg.gather [hbm4b:s3+s2], $0x80, v4, vm0, $0xb8;
	[tilespmem:$0x18080] =	vst v63  }
0xa7: {  	v3 =	vadd.s32 v1, v3  }
0xa8: {  	[tilespmem:s20], [sflag:$0x1] =	stream.indirect_vreg.gather [hbm4b:s4+s2], $0x80, v4, vm0, $0xb8;
	[tilespmem:$0x18080] =	vst v63  }
0xa9: {  	_ = 	snop  }
0xaa: {  	[tilespmem:s21], [sflag:$0x1] =	stream.indirect_vreg.gather [hbm4b:s5+s2], $0x80, v4, vm0, $0xb8;
	[tilespmem:$0x18080] =	vst v63  }
0xab: {  	_ = 	snop  }
0xac: {  	[tilespmem:s22], [sflag:$0x1] =	stream.indirect_vreg.gather [hbm4b:s3+s2], $0x80, v3, vm0, $0xb8;
	[tilespmem:$0x18080] =	vst v63  }
0xad: {  	_ = 	snop  }
0xae: {  	[tilespmem:s23], [sflag:$0x1] =	stream.indirect_vreg.gather [hbm4b:s4+s2], $0x80, v3, vm0, $0xb8;
	[tilespmem:$0x18080] =	vst v63  }
0xaf: {  	_ = 	snop  }
0xb0: {  	[tilespmem:s24], [sflag:$0x1] =	stream.indirect_vreg.gather [hbm4b:s5+s2], $0x80, v3, vm0, $0xb8;
	[tilespmem:$0x18080] =	vst v63  }
0xb1: {  	v3 =	vld [tilespmem:$0x70];
	_ =	sdelay $0x4  }
0xb2: {  	v63 =	vshrl.u32 v3, $0x3  }
0xb3: {  	v4 =	vmul.u32 $0x30, v63  }
0xb4: {  	v3 =	vand.u32 $0x7, v3  }
0xb5: {  	v3 =	vor.u32 v3, v4  }
0xb6: {  	v4 =	vperm.xlane v3, v0;
	_ =	sdelay $0x1  }
0xb7: {  	v4 =	vadd.s32 v1, v4;
	_ =	sdelay $0x3  }
0xb8: {  	v3 =	vperm.xlane v3, v2  }
0xb9: {  	[tilespmem:s25], [sflag:$0x1] =	stream.indirect_vreg.gather [hbm4b:s3+s2], $0x80, v4, vm0, $0xb8;
	[tilespmem:$0x18080] =	vst v63  }
0xba: {  	v3 =	vadd.s32 v1, v3  }
0xbb: {  	[tilespmem:s26], [sflag:$0x1] =	stream.indirect_vreg.gather [hbm4b:s4+s2], $0x80, v4, vm0, $0xb8;
	[tilespmem:$0x18080] =	vst v63  }
0xbc: {  	_ = 	snop  }
0xbd: {  	[tilespmem:s28], [sflag:$0x1] =	stream.indirect_vreg.gather [hbm4b:s5+s2], $0x80, v4, vm0, $0xb8;
	[tilespmem:$0x18080] =	vst v63  }
0xbe: {  	_ = 	snop  }
0xbf: {  	[tilespmem:s29], [sflag:$0x1] =	stream.indirect_vreg.gather [hbm4b:s3+s2], $0x80, v3, vm0, $0xb8;
	[tilespmem:$0x18080] =	vst v63  }
0xc0: {  	_ = 	snop  }
0xc1: {  	[tilespmem:s30], [sflag:$0x1] =	stream.indirect_vreg.gather [hbm4b:s4+s2], $0x80, v3, vm0, $0xb8;
	[tilespmem:$0x18080] =	vst v63  }
0xc2: {  	_ = 	snop  }
0xc3: {  	[tilespmem:s31], [sflag:$0x1] =	stream.indirect_vreg.gather [hbm4b:s5+s2], $0x80, v3, vm0, $0xb8;
	[tilespmem:$0x18080] =	vst v63  }
0xc4: {  	_ =	swait.ge [sflag:s1], $0x18000  }
0xc5: {  	p0 =	sne.s32 s6, $0x1;
	[sflag:s1] =	ssyncset.done $0x0  }
.Ltmp0:
0xc6: {  	s9 =	rddreg [dreg:$0x3];
	[sflag:s1] =	ssyncadd.s32 $0xFFFE8000;
	(pc) =	sbr.rel @p0 .LBB2_1-.Ltmp0, $4  }
0xc7: {  	[hbm4b:s9+s2] =	stream.linear.scatter [tilespmem:s8], [sflag:$0x2], $0x18000, $0x38;
	[tilespmem:$0x18080] =	vst v63  }
0xc8: {  	_ =	swait.ge [sflag:s7], $0x18000  }
0xc9: {  	[sflag:s7] =	ssyncset.done $0x0  }
0xca: {  	s6 =	sadd.s32 $0xFFFFFFFF, s6;
	[sflag:s7] =	ssyncadd.s32 $0xFFFE8000  }
0xcb: {  	_ =	sfence.sel $0x180000  }
0xcc: {  	[bflag:$0x0] =	sbarrier.arrive $0xFFFF  }
0xcd: {  	_ =	strace $0x9000004A  }
0xce: {  	s0 =	stileid.u32;
	[bflag:$0x2] =	sbarrier.arrive $0xFFFF  }
0xcf: {  	p0 =	sne.s32 s0, $0x0;
	s0 =	rddreg [dreg:$0x1]  }
0xd0: {  	s0 =	sadd.s32 @!p0 $0x100000, s0  }
0xd1: {  	[sflag:s0] =	ssyncadd.tile.s32 @!p0 $0x1;
	_ =	shalt  }
.Lfunc_end2:
_tile_overlayer_lowered:
.L_overlay_start_2:
0xd2: {  	(tag) =	ssettag $0x2  }
0xd3: {  	s0 =	rddreg [dreg:$0x0];
	s2 =	stileid.u32  }
0xd4: {  	s1 =	rddreg [dreg:$0x1];
	p0 =	sne.s32 s2, $0x0  }
0xd5: {  	s3 =	rddreg [dreg:$0x2];
	[bflag:$0x3] =	sbarrier.arrive $0xFFFF;
	s2 =	simm.s32 @!p0 $0x1C02  }
0xd6: {  	[timem:s3], [sflag:s2] =	dma.local @!p0 [hbm:s0], s1  }
0xd7: {  	s0 =	simm.s32 @!p0 $0x2  }
0xd8: {  	_ =	swait.ge @!p0 [sflag:s0], s1  }
0xd9: {  	s1 =	ssub.s32 @!p0 $0x0, s1;
	[sflag:s0] =	ssyncset.done @!p0 $0x0  }
0xda: {  	[sflag:s0] =	ssyncadd.s32 @!p0 s1  }
0xdb: {  	[bflag:$0x3] =	sbarrier.arrive $0xFFFF  }
0xdc: {  	_ =	shalt  }

// kernel: kernel.9.cloned.1.call-start
scs
__scs_entry_jumppad:
0x0: {  	(pc) =	sbr.rel $0x88, $3  }
0x1: {  	(tag) =	ssettag $0x0;
	lr =	simm.s32 $0x1  }
0x2: {  	[smem:$0x3F93] =	sst lr;
	_ =	strace $0xD0000000  }
0x3: {  	_ = 	snop  }
0x4: {  	_ = 	snop  }
0x5: {  	_ = 	snop  }
0x6: {  	_ = 	snop  }
0x7: {  	_ = 	snop  }
__scs_overlays_trampoline_lowered:
0x8: {  	[smem:$0x3FA2] =	sst s0  }
0x9: {  	[smem:$0x3FA3] =	sst s1  }
0xa: {  	[smem:$0x3FA4] =	sst s2  }
0xb: {  	[smem:$0x3FA5] =	sst s3  }
0xc: {  	[smem:$0x3FA6] =	sst s4  }
0xd: {  	[smem:$0x3FA7] =	sst s5  }
0xe: {  	[smem:$0x3FA8] =	sst s6  }
0xf: {  	[smem:$0x3FA9] =	sst s7  }
0x10: {  	[smem:$0x3FAA] =	sst s8  }
0x11: {  	[smem:$0x3FAB] =	sst s9;
	s0 =	simm.s32 @!p0 $0x0  }
0x12: {  	s1 =	sld [smem:$0x3F91];
	s0 =	simm.s32 @p0 $0x1  }
0x13: {  	[smem:$0x3FAC] =	sst s0;
	s0 =	simm.s32 @!p1 $0x0  }
0x14: {  	s2 =	sld [smem:$0x3F90];
	s0 =	simm.s32 @p1 $0x1  }
0x15: {  	[smem:$0x3FAD] =	sst s0;
	s0 =	simm.s32 @!p2 $0x0  }
0x16: {  	s3 =	sld [smem:$0x3FDB];
	s0 =	simm.s32 @p2 $0x1  }
0x17: {  	s4 =	simm.s32 $0x1BF5;
	[smem:$0x3FAF] =	sst s0  }
0x18: {  	s0 =	sld [smem:$0x3F92];
	_ =	swait.ge [sflag:s4], $0x0  }
0x19: {  	s7 =	sld [smem:$0x3F93]  }
0x1a: {  	s8 =	sadd.s32 $0xFFFFE003, lr  }
0x1b: {  	s9 =	sadd.s32 $0xFFFFFEF7, lr;
	s5 =	simm.s32 $0xFFFFFFFF;
	p2 =	slt.u32 s8, $0xFFFFF086  }
0x1c: {  	p1 =	slt.u32 s9, $0xF7A;
	s5 =	simm.s32 @!p2 $0x0  }
0x1d: {  	s5 =	simm.s32 @p1 $0x1;
	p0 =	seq.s32 s7, s2  }
0x1e: {  	s7 =	smul.u32 @!p0 $0xF7A, s2;
	p2 =	seq.s32 @!p0 s5, $0x0  }
0x1f: {  	s9 =	smul.u32 $0xF7A, s1;
	s8 =	simm.s32 @!p0 $0x1BF5;
	p2 =	por !p2, p0  }
0x20: {  	[sflag:s8] =	ssyncset.s32 @!p0 $0xFFFFF086;
	s6 =	sadd.s32 @!p0 s3, s7;
	s7 =	simm.s32 @!p0 $0x108  }
0x21: {  	s3 =	sadd.s32 s3, s9;
	s6 =	sadd.s32 @!p0 $0x88, s6;
	s7 =	simm.s32 @p2 $0x1082  }
0x22: {  	[simem:s7], [sflag:s8] =	dma.local @!p0 [hbm:s6], $0xF7A  }
0x23: {  	s9 =	sor.u32 $0xD0000000, s2;
	s6 =	simm.s32 $0x108;
	_ =	swait.ge @!p0 [sflag:s8], $0x0  }
0x24: {  	s3 =	sadd.s32 $0x88, s3;
	s6 =	simm.s32 @!p1 $0x1082;
	[sflag:s4] =	ssyncset.s32 $0xFFFFF086  }
0x25: {  	[simem:s6], [sflag:s4] =	dma.local [hbm:s3], $0xF7A  }
0x26: {  	[smem:$0x3F93] =	sst s1;
	(tag) =	ssettag s2;
	_ =	strace s9  }
0x27: {  	s1 =	sld [smem:$0x3FA3]  }
0x28: {  	s2 =	sld [smem:$0x3FA4]  }
0x29: {  	s4 =	sld [smem:$0x3FA6]  }
0x2a: {  	p0 =	seq.s32 s5, $0x0;
	s5 =	sld [smem:$0x3FA7]  }
0x2b: {  	s6 =	sld [smem:$0x3FA8]  }
0x2c: {  	s7 =	sld [smem:$0x3FA9]  }
0x2d: {  	s3 =	simm.s32 $0x108;
	s8 =	sld [smem:$0x3FAA]  }
0x2e: {  	s3 =	simm.s32 @!p0 $0x1082;
	s9 =	sld [smem:$0x3FAB]  }
0x2f: {  	lr =	sadd.s32 s0, s3;
	s0 =	sld [smem:$0x3FA2]  }
0x30: {  	s3 =	sld [smem:$0x3FA5]  }
0x31: {  	[smem:$0x3FAE] =	sst s10  }
0x32: {  	s10 =	sld [smem:$0x3FAC];
	_ =	sdelay $0x3  }
0x33: {  	p0 =	seq.s32 s10, $0x1;
	s10 =	sld [smem:$0x3FAE];
	_ =	sdelay $0x3  }
0x34: {  	[smem:$0x3FAE] =	sst s10  }
0x35: {  	s10 =	sld [smem:$0x3FAD];
	_ =	sdelay $0x3  }
0x36: {  	p1 =	seq.s32 s10, $0x1;
	s10 =	sld [smem:$0x3FAE];
	_ =	sdelay $0x3  }
0x37: {  	[smem:$0x3FAE] =	sst s10  }
0x38: {  	s10 =	sld [smem:$0x3FAF]  }
0x39: {  	_ = 	snop;
	(pc) =	sbr.ind lr, $3  }
0x3a: {  	_ = 	snop  }
0x3b: {  	_ = 	snop  }
0x3c: {  	p2 =	seq.s32 s10, $0x1;
	s10 =	sld [smem:$0x3FAE]  }
0x3d: {  	_ =	shalt  }
0x3e: {  	_ =	shalt  }
0x3f: {  	_ =	shalt  }
0x40: {  	_ =	shalt  }
0x41: {  	_ =	shalt  }
0x42: {  	_ =	shalt  }
0x43: {  	_ =	shalt  }
0x44: {  	_ =	shalt  }
0x45: {  	_ =	shalt  }
0x46: {  	_ =	shalt  }
0x47: {  	_ =	shalt  }
0x48: {  	_ =	shalt  }
0x49: {  	_ =	shalt  }
0x4a: {  	_ =	shalt  }
0x4b: {  	_ =	shalt  }
0x4c: {  	_ =	shalt  }
0x4d: {  	_ =	shalt  }
0x4e: {  	_ =	shalt  }
0x4f: {  	_ =	shalt  }
0x50: {  	_ =	shalt  }
0x51: {  	_ =	shalt  }
0x52: {  	_ =	shalt  }
0x53: {  	_ =	shalt  }
0x54: {  	_ =	shalt  }
0x55: {  	_ =	shalt  }
0x56: {  	_ =	shalt  }
0x57: {  	_ =	shalt  }
0x58: {  	_ =	shalt  }
0x59: {  	_ =	shalt  }
0x5a: {  	_ =	shalt  }
0x5b: {  	_ =	shalt  }
0x5c: {  	_ =	shalt  }
0x5d: {  	_ =	shalt  }
0x5e: {  	_ =	shalt  }
0x5f: {  	_ =	shalt  }
0x60: {  	_ =	shalt  }
0x61: {  	_ =	shalt  }
0x62: {  	_ =	shalt  }
0x63: {  	_ =	shalt  }
0x64: {  	_ =	shalt  }
0x65: {  	_ =	shalt  }
0x66: {  	_ =	shalt  }
0x67: {  	_ =	shalt  }
0x68: {  	_ =	shalt  }
0x69: {  	_ =	shalt  }
0x6a: {  	_ =	shalt  }
0x6b: {  	_ =	shalt  }
0x6c: {  	_ =	shalt  }
0x6d: {  	_ =	shalt  }
0x6e: {  	_ =	shalt  }
0x6f: {  	_ =	shalt  }
0x70: {  	_ =	shalt  }
0x71: {  	_ =	shalt  }
0x72: {  	_ =	shalt  }
0x73: {  	_ =	shalt  }
0x74: {  	_ =	shalt  }
0x75: {  	_ =	shalt  }
0x76: {  	_ =	shalt  }
0x77: {  	_ =	shalt  }
0x78: {  	_ =	shalt  }
0x79: {  	_ =	shalt  }
0x7a: {  	_ =	shalt  }
0x7b: {  	_ =	shalt  }
0x7c: {  	_ =	shalt  }
0x7d: {  	_ =	shalt  }
0x7e: {  	_ =	shalt  }
0x7f: {  	_ =	shalt  }
0x80: {  	_ =	shalt  }
0x81: {  	_ =	shalt  }
0x82: {  	_ =	shalt  }
0x83: {  	_ =	shalt  }
0x84: {  	_ =	shalt  }
0x85: {  	_ =	shalt  }
0x86: {  	_ =	shalt  }
0x87: {  	_ =	shalt  }
.Lfunc_end0:
.L_simem_size_0:
called_computation_lowered:
.L_overlay_start_0:
0x88: {  	s2 =	sld [smem:$0x3FD9]  }
0x89: {  	s3 =	sld [smem:$0x3FFE];
	_ =	sdelay $0x1  }
0x8a: {  	s1 =	srdreg.scid  }
0x8b: {  	s0 =	sand.u32 $0x1, s1  }
0x8c: {  	s16 =	sshll.u32 s0, $0xA;
	s2 =	sadd.s32 s3, s2  }
0x8d: {  	s2 =	sadd.s32 s2, s16  }
0x8e: {  	[smem:$0x3FBA] =	sst s2  }
0x8f: {  	_ = 	snop  }
0x90: {  	(tm) =	ssettm $0x1  }
0x91: {  	s17 =	sld [smem:$0x3FFB];
	_ =	sdelay $0x3  }
0x92: {  	_ =	strace s17  }
0x93: {  	s2 =	sld [smem:$0x3FFC];
	_ =	sdelay $0x3  }
0x94: {  	_ =	strace s2  }
0x95: {  	s2 =	sld [smem:$0x3FFD];
	_ =	sdelay $0x3  }
0x96: {  	_ =	strace s2  }
0x97: {  	_ =	strace $0x8FFFFFFF  }
0x98: {  	s18 =	sld [smem:$0x3FDB];
	_ =	sdelay $0x1  }
0x99: {  	s19 =	simm.s32 $_scs_section_size  }
0x9a: {  	s4 =	simm.s32 $_size__tile_overlayer_lowered;
	s5 =	simm.s32 $_tile_overlayer_lowered  }
0x9b: {  	s22 =	simm.s32 $0x1BFF;
	s21 =	sshll.u32 s5, $0x1;
	s2 =	sadd.s32 s19, s18  }
0x9c: {  	s6 =	simm.s32 $0x0;
	s20 =	sshll.u32 s4, $0x1;
	s4 =	sadd.s32 s21, s2  }
0x9d: {  	[timem:s6], [sflag:s22] =	dma.local [hbm:s4], s20  }
0x9e: {  	_ =	swait.ge [sflag:s22], s20  }
0x9f: {  	s3 =	ssub.s32 $0x0, s20;
	[sflag:s22] =	ssyncset.done $0x0  }
0xa0: {  	[sflag:s22] =	ssyncadd.s32 s3;
	_ =	sdelay $0x1  }
0xa1: {  	s23 =	simm.s32 $0x1B8B  }
0xa2: {  	_ =	swait.ge [sflag:s23], $0x1  }
0xa3: {  	[sflag:s23] =	ssyncset.done $0x0  }
0xa4: {  	s25 =	simm.s32 $0x1B8E;
	s24 =	sld [smem:$0x3FFE];
	[sflag:s23] =	ssyncadd.s32 $0xFFFFFFFF  }
0xa5: {  	s26 =	simm.s32 $execute0_lowered;
	[smem:$0x3FD2] =	sst s25  }
0xa6: {  	s4 =	sshll.u32 s26, $0x1;
	_ =	strace $0x80000046;
	[dreg:$0x1] =	wrdreg $0xFFFFFFFF  }
0xa7: {  	s28 =	simm.s32 $_size_execute0_lowered;
	s2 =	sadd.s32 s2, s4;
	[dreg:$0x0] =	wrdreg $0x0  }
0xa8: {  	s4 =	sshll.u32 s28, $0x1;
	[dreg:$0x2] =	wrdreg s2  }
0xa9: {  	[dreg:$0x3] =	wrdreg s4  }
0xaa: {  	[dreg:$0x4] =	wrdreg $0xC0  }
0xab: {  	_ =	task [dreg:s6], $0x5FFFF  }
0xac: {  	[dreg:$0x1] =	wrdreg $0xFFFFFFFF  }
0xad: {  	[dreg:$0x0] =	wrdreg $0x60  }
0xae: {  	[dreg:$0x2] =	wrdreg s24  }
0xaf: {  	[dreg:$0x3] =	wrdreg $0x9  }
0xb0: {  	_ =	task.clear_ibuf [dreg:s6], $0x4FFFF;
	_ =	strace $0x90000046  }
0xb1: {  	s29 =	simm.s32 $0x9;
	_ =	strace $0x80000048  }
0xb2: {  	_ =	swait.ge [sflag:s29], $0x1  }
0xb3: {  	[sflag:s29] =	ssyncadd.s32 $0xFFFFFFFF  }
0xb4: {  	_ =	strace $0x90000048  }
0xb5: {  	_ =	sfence  }
0xb6: {  	s30 =	sld [smem:$0x0];
	_ =	sdelay $0x2  }
0xb7: {  	s31 =	sshll.u32 s1, $0xD;
	s1 =	sshrl.u32 s1, $0x2  }
0xb8: {  	s3 =	sand.u32 $0x4000, s31;
	s1 =	sadd.s32 s1, s30  }
0xb9: {  	s0 =	sor.u32 s3, s0;
	s1 =	sshll.u32 s1, $0x11  }
0xba: {  	s0 =	sor.u32 s1, s0  }
0xbb: {  	s0 =	sadd.s32 $0x8F2B, s0  }
0xbc: {  	[sflag:s0] =	ssyncadd.remote.s32 $0x1  }
0xbd: {  	_ =	sfence.sel $0xFFFF  }
0xbe: {  	[dreg:$0x0] =	wrdreg $0xFFFFFFFF;
	(pc) =	sbr.abs _section_cstart, $3  }
0xbf: {  	[dreg:$0x1] =	wrdreg $0xFFFFFFFF  }
0xc0: {  	_ =	task.clear_ibuf [dreg:s6], $0x2FFFF;
	_ =	strace $0x9FFFFFFF  }
0xc1: {  	(tm) =	ssettm $0x7FFFFFFF  }
tec
execute0_lowered:
.L_overlay_start_1:
0x0: {  	(tag) =	ssettag $0x1  }
0x1: {  	s1 =	srdreg.scid  }
0x2: {  	s0 =	stileid.u32;
	s1 =	sand.u32 $0x1, s1  }
0x3: {  	s2 =	sshll.u32 s0, $0x5;
	s3 =	sshll.u32 s1, $0x4  }
0x4: {  	s5 =	rddreg [dreg:$0x0];
	s3 =	sor.u32 s3, s2;
	s2 =	simm.s32 $0x0  }
0x5: {  	s26 =	simm.s32 $0x880;
	[smem:$0x7FF] =	sst s2  }
0x6: {  	s0 =	simm.s32 $0x1080;
	_ =	strace $0x80000047;
	[dreg:$0x4] =	wrdreg s26  }
0x7: {  	s6 =	simm.s32 $0x2080;
	[dreg:$0x5] =	wrdreg s0  }
0x8: {  	s7 =	simm.s32 $0x2880;
	[dreg:$0x7] =	wrdreg s6  }
0x9: {  	s8 =	simm.s32 $0x3080;
	[dreg:$0x8] =	wrdreg s7  }
0xa: {  	s9 =	simm.s32 $0x3880;
	[dreg:$0x9] =	wrdreg s8  }
0xb: {  	s10 =	simm.s32 $0x4080;
	[dreg:$0xa] =	wrdreg s9  }
0xc: {  	s11 =	simm.s32 $0x4880;
	[dreg:$0xb] =	wrdreg s10  }
0xd: {  	s12 =	simm.s32 $0x5080;
	[dreg:$0xc] =	wrdreg s11  }
0xe: {  	s13 =	simm.s32 $0x5880;
	[dreg:$0xd] =	wrdreg s12  }
0xf: {  	s14 =	simm.s32 $0x6080;
	[dreg:$0xe] =	wrdreg s13  }
0x10: {  	s15 =	simm.s32 $0x6880;
	[dreg:$0xf] =	wrdreg s14  }
0x11: {  	s16 =	simm.s32 $0x7080;
	[dreg:$0x10] =	wrdreg s15  }
0x12: {  	s17 =	simm.s32 $0x7880;
	s18 =	simm.s32 $0x8080;
	[dreg:$0x11] =	wrdreg s16  }
0x13: {  	s19 =	simm.s32 $0x8880;
	s20 =	simm.s32 $0x9080;
	[dreg:$0x12] =	wrdreg s17  }
0x14: {  	s21 =	simm.s32 $0x9880;
	s22 =	simm.s32 $0xA080;
	[dreg:$0x13] =	wrdreg s18  }
0x15: {  	s23 =	simm.s32 $0xA880;
	s24 =	simm.s32 $0xB880;
	[dreg:$0x14] =	wrdreg s19  }
0x16: {  	s28 =	simm.s32 $0x16080;
	s29 =	simm.s32 $0x16880;
	[dreg:$0x15] =	wrdreg s20  }
0x17: {  	s30 =	simm.s32 $0x17080;
	s31 =	simm.s32 $0x17880;
	[dreg:$0x16] =	wrdreg s21  }
0x18: {  	s4 =	smul.u32 $0x300, s3;
	s3 =	sadd.s32 s3, s5;
	[dreg:$0x17] =	wrdreg s22  }
0x19: {  	s1 =	ssub.s32 $0x2, s1;
	s3 =	sadd.s32 $0x72800, s3;
	[dreg:$0x18] =	wrdreg s23  }
0x1a: {  	s6 =	sshrl.u32 s1, $0x1;
	s7 =	simm.s32 $0xB080;
	[dreg:$0x1a] =	wrdreg s24  }
0x1b: {  	s8 =	simm.s32 $0x80;
	s26 =	simm.s32 $0xC880;
	s10 =	simm.s32 $0xD880  }
0x1c: {  	s11 =	simm.s32 $0xE080;
	s12 =	simm.s32 $0xE880;
	s13 =	simm.s32 $0xF080  }
0x1d: {  	s14 =	simm.s32 $0xF880;
	s15 =	simm.s32 $0x10080;
	s16 =	simm.s32 $0x10880  }
0x1e: {  	s17 =	simm.s32 $0x11080;
	s18 =	simm.s32 $0x11880;
	s19 =	simm.s32 $0x12080  }
0x1f: {  	s20 =	simm.s32 $0x12880;
	s21 =	simm.s32 $0x13080;
	s22 =	simm.s32 $0x13880  }
0x20: {  	s23 =	simm.s32 $0x14080;
	s24 =	simm.s32 $0x14880;
	[dreg:$0x2] =	wrdreg s3  }
0x21: {  	s4 =	sadd.s32 s4, s5;
	s3 =	sadd.s32 $0x72A00, s5;
	[dreg:$0x19] =	wrdreg s7  }
0x22: {  	s1 =	ssub.s32 s1, s6;
	s7 =	simm.s32 $0x2;
	[dreg:$0x1c] =	wrdreg s26  }
0x23: {  	s26 =	simm.s32 $0x15880;
	s25 =	sadd.s32 $0x2800, s4;
	s4 =	simm.s32 $0x1880  }
0x24: {  	v2 =	vlaneseq.u32;
	s6 =	smax.u32 s1, $0x1;
	s1 =	simm.s32 $0x1;
	[dreg:$0x3] =	wrdreg s25  }
0x25: {  	vm0 =	vmmov $0xffff;
	v1 =	vshrl.u32 v2, $0x3;
	[dreg:$0x6] =	wrdreg s4;
	s4 =	sadd.s32 $0x72B00, s5;
	s25 =	simm.s32 $0xC080  }
0x26: {  	v0 =	vand.u32 $0x7, v2;
	v2 =	vor.u32 $0x8, v2;
	v1 =	vmul.u32 $0x8, v1;
	s5 =	sadd.s32 $0x72C00, s5;
	[dreg:$0x1b] =	wrdreg s25;
	s25 =	simm.s32 $0x15080  }
.LBB2_1:
0x27: {  	s0 =	rddreg [dreg:$0x2]  }
0x28: {  	[tilespmem:s2], [sflag:$0x2] =	stream.linear.gather [hbm4b:s0+s2], $0x80, $0x38;
	[tilespmem:$0x18080] =	vst v63  }
0x29: {  	_ =	swait.ge [sflag:s7], $0x80  }
0x2a: {  	[sflag:s7] =	ssyncset.done $0x0  }
0x2b: {  	s9 =	rddreg [dreg:$0x3];
	[sflag:s7] =	ssyncadd.s32 $0xFFFFFF80  }
0x2c: {  	[tilespmem:s8], [sflag:$0x2] =	stream.linear.gather [hbm4b:s9+s2], $0x18000, $0x38;
	[tilespmem:$0x18080] =	vst v63  }
0x2d: {  	_ =	swait.ge [sflag:s7], $0x18000  }
0x2e: {  	[sflag:s7] =	ssyncset.done $0x0  }
0x2f: {  	[sflag:s7] =	ssyncadd.s32 $0xFFFE8000  }
0x30: {  	v3 =	vld [tilespmem:$0x0];
	_ =	sdelay $0x4  }
0x31: {  	v4 =	vshrl.u32 v3, $0x3  }
0x32: {  	v4 =	vmul.u32 $0x30, v4  }
0x33: {  	v3 =	vand.u32 $0x7, v3  }
0x34: {  	v3 =	vor.u32 v3, v4  }
0x35: {  	v4 =	vperm.xlane v3, v0;
	_ =	sdelay $0x1  }
0x36: {  	v4 =	vadd.s32 v1, v4;
	_ =	sdelay $0x3  }
0x37: {  	v3 =	vperm.xlane v3, v2  }
0x38: {  	[hbm4b:s3+s2] =	stream.indirect_vreg.scatter [tilespmem:s8], [sflag:$0x1], $0x80, v4, vm0, $0xb8;
	[tilespmem:$0x18080] =	vst v63  }
0x39: {  	s0 =	rddreg [dreg:$0x4];
	v3 =	vadd.s32 v1, v3  }
0x3a: {  	[hbm4b:s4+s2] =	stream.indirect_vreg.scatter [tilespmem:s0], [sflag:$0x1], $0x80, v4, vm0, $0xb8;
	[tilespmem:$0x18080] =	vst v63  }
0x3b: {  	s9 =	rddreg [dreg:$0x5]  }
0x3c: {  	[hbm4b:s5+s2] =	stream.indirect_vreg.scatter [tilespmem:s9], [sflag:$0x1], $0x80, v4, vm0, $0xb8;
	[tilespmem:$0x18080] =	vst v63  }
0x3d: {  	s0 =	rddreg [dreg:$0x6]  }
0x3e: {  	[hbm4b:s3+s2] =	stream.indirect_vreg.scatter [tilespmem:s0], [sflag:$0x1], $0x80, v3, vm0, $0xb8;
	[tilespmem:$0x18080] =	vst v63  }
0x3f: {  	s9 =	rddreg [dreg:$0x7]  }
0x40: {  	[hbm4b:s4+s2] =	stream.indirect_vreg.scatter [tilespmem:s9], [sflag:$0x1], $0x80, v3, vm0, $0xb8;
	[tilespmem:$0x18080] =	vst v63  }
0x41: {  	s0 =	rddreg [dreg:$0x8]  }
0x42: {  	[hbm4b:s5+s2] =	stream.indirect_vreg.scatter [tilespmem:s0], [sflag:$0x1], $0x80, v3, vm0, $0xb8;
	[tilespmem:$0x18080] =	vst v63  }
0x43: {  	v3 =	vld [tilespmem:$0x10];
	_ =	sdelay $0x4  }
0x44: {  	v57 =	vshrl.u32 v3, $0x3  }
0x45: {  	v4 =	vmul.u32 $0x30, v57  }
0x46: {  	v3 =	vand.u32 $0x7, v3  }
0x47: {  	v3 =	vor.u32 v3, v4  }
0x48: {  	v4 =	vperm.xlane v3, v0;
	_ =	sdelay $0x1  }
0x49: {  	v4 =	vadd.s32 v1, v4;
	_ =	sdelay $0x3  }
0x4a: {  	s0 =	rddreg [dreg:$0x9];
	v3 =	vperm.xlane v3, v2  }
0x4b: {  	[hbm4b:s3+s2] =	stream.indirect_vreg.scatter [tilespmem:s0], [sflag:$0x1], $0x80, v4, vm0, $0xb8;
	[tilespmem:$0x18080] =	vst v63  }
0x4c: {  	s9 =	rddreg [dreg:$0xa];
	v3 =	vadd.s32 v1, v3  }
0x4d: {  	[hbm4b:s4+s2] =	stream.indirect_vreg.scatter [tilespmem:s9], [sflag:$0x1], $0x80, v4, vm0, $0xb8;
	[tilespmem:$0x18080] =	vst v63  }
0x4e: {  	s0 =	rddreg [dreg:$0xb]  }
0x4f: {  	[hbm4b:s5+s2] =	stream.indirect_vreg.scatter [tilespmem:s0], [sflag:$0x1], $0x80, v4, vm0, $0xb8;
	[tilespmem:$0x18080] =	vst v63  }
0x50: {  	s9 =	rddreg [dreg:$0xc]  }
0x51: {  	[hbm4b:s3+s2] =	stream.indirect_vreg.scatter [tilespmem:s9], [sflag:$0x1], $0x80, v3, vm0, $0xb8;
	[tilespmem:$0x18080] =	vst v63  }
0x52: {  	s0 =	rddreg [dreg:$0xd]  }
0x53: {  	[hbm4b:s4+s2] =	stream.indirect_vreg.scatter [tilespmem:s0], [sflag:$0x1], $0x80, v3, vm0, $0xb8;
	[tilespmem:$0x18080] =	vst v63  }
0x54: {  	s9 =	rddreg [dreg:$0xe]  }
0x55: {  	[hbm4b:s5+s2] =	stream.indirect_vreg.scatter [tilespmem:s9], [sflag:$0x1], $0x80, v3, vm0, $0xb8;
	[tilespmem:$0x18080] =	vst v63  }
0x56: {  	v3 =	vld [tilespmem:$0x20];
	_ =	sdelay $0x4  }
0x57: {  	v58 =	vshrl.u32 v3, $0x3  }
0x58: {  	v4 =	vmul.u32 $0x30, v58  }
0x59: {  	v3 =	vand.u32 $0x7, v3  }
0x5a: {  	v3 =	vor.u32 v3, v4  }
0x5b: {  	v4 =	vperm.xlane v3, v0;
	_ =	sdelay $0x1  }
0x5c: {  	v4 =	vadd.s32 v1, v4;
	_ =	sdelay $0x3  }
0x5d: {  	s0 =	rddreg [dreg:$0xf];
	v3 =	vperm.xlane v3, v2  }
0x5e: {  	[hbm4b:s3+s2] =	stream.indirect_vreg.scatter [tilespmem:s0], [sflag:$0x1], $0x80, v4, vm0, $0xb8;
	[tilespmem:$0x18080] =	vst v63  }
0x5f: {  	s9 =	rddreg [dreg:$0x10];
	v3 =	vadd.s32 v1, v3  }
0x60: {  	[hbm4b:s4+s2] =	stream.indirect_vreg.scatter [tilespmem:s9], [sflag:$0x1], $0x80, v4, vm0, $0xb8;
	[tilespmem:$0x18080] =	vst v63  }
0x61: {  	s0 =	rddreg [dreg:$0x11]  }
0x62: {  	[hbm4b:s5+s2] =	stream.indirect_vreg.scatter [tilespmem:s0], [sflag:$0x1], $0x80, v4, vm0, $0xb8;
	[tilespmem:$0x18080] =	vst v63  }
0x63: {  	s9 =	rddreg [dreg:$0x12]  }
0x64: {  	[hbm4b:s3+s2] =	stream.indirect_vreg.scatter [tilespmem:s9], [sflag:$0x1], $0x80, v3, vm0, $0xb8;
	[tilespmem:$0x18080] =	vst v63  }
0x65: {  	s0 =	rddreg [dreg:$0x13]  }
0x66: {  	[hbm4b:s4+s2] =	stream.indirect_vreg.scatter [tilespmem:s0], [sflag:$0x1], $0x80, v3, vm0, $0xb8;
	[tilespmem:$0x18080] =	vst v63  }
0x67: {  	s9 =	rddreg [dreg:$0x14]  }
0x68: {  	[hbm4b:s5+s2] =	stream.indirect_vreg.scatter [tilespmem:s9], [sflag:$0x1], $0x80, v3, vm0, $0xb8;
	[tilespmem:$0x18080] =	vst v63  }
0x69: {  	v3 =	vld [tilespmem:$0x30];
	_ =	sdelay $0x4  }
0x6a: {  	v59 =	vshrl.u32 v3, $0x3  }
0x6b: {  	v4 =	vmul.u32 $0x30, v59  }
0x6c: {  	v3 =	vand.u32 $0x7, v3  }
0x6d: {  	v3 =	vor.u32 v3, v4  }
0x6e: {  	v4 =	vperm.xlane v3, v0;
	_ =	sdelay $0x1  }
0x6f: {  	v4 =	vadd.s32 v1, v4;
	_ =	sdelay $0x3  }
0x70: {  	s0 =	rddreg [dreg:$0x15];
	v3 =	vperm.xlane v3, v2  }
0x71: {  	[hbm4b:s3+s2] =	stream.indirect_vreg.scatter [tilespmem:s0], [sflag:$0x1], $0x80, v4, vm0, $0xb8;
	[tilespmem:$0x18080] =	vst v63  }
0x72: {  	s9 =	rddreg [dreg:$0x16];
	v3 =	vadd.s32 v1, v3  }
0x73: {  	[hbm4b:s4+s2] =	stream.indirect_vreg.scatter [tilespmem:s9], [sflag:$0x1], $0x80, v4, vm0, $0xb8;
	[tilespmem:$0x18080] =	vst v63  }
0x74: {  	s0 =	rddreg [dreg:$0x17]  }
0x75: {  	[hbm4b:s5+s2] =	stream.indirect_vreg.scatter [tilespmem:s0], [sflag:$0x1], $0x80, v4, vm0, $0xb8;
	[tilespmem:$0x18080] =	vst v63  }
0x76: {  	s9 =	rddreg [dreg:$0x18]  }
0x77: {  	[hbm4b:s3+s2] =	stream.indirect_vreg.scatter [tilespmem:s9], [sflag:$0x1], $0x80, v3, vm0, $0xb8;
	[tilespmem:$0x18080] =	vst v63  }
0x78: {  	s0 =	rddreg [dreg:$0x19]  }
0x79: {  	[hbm4b:s4+s2] =	stream.indirect_vreg.scatter [tilespmem:s0], [sflag:$0x1], $0x80, v3, vm0, $0xb8;
	[tilespmem:$0x18080] =	vst v63  }
0x7a: {  	s9 =	rddreg [dreg:$0x1a]  }
0x7b: {  	[hbm4b:s5+s2] =	stream.indirect_vreg.scatter [tilespmem:s9], [sflag:$0x1], $0x80, v3, vm0, $0xb8;
	[tilespmem:$0x18080] =	vst v63  }
0x7c: {  	v3 =	vld [tilespmem:$0x40];
	_ =	sdelay $0x4  }
0x7d: {  	v60 =	vshrl.u32 v3, $0x3  }
0x7e: {  	v4 =	vmul.u32 $0x30, v60  }
0x7f: {  	v3 =	vand.u32 $0x7, v3  }
0x80: {  	v3 =	vor.u32 v3, v4  }
0x81: {  	v4 =	vperm.xlane v3, v0;
	_ =	sdelay $0x1  }
0x82: {  	v4 =	vadd.s32 v1, v4;
	_ =	sdelay $0x3  }
0x83: {  	s0 =	rddreg [dreg:$0x1b];
	v3 =	vperm.xlane v3, v2  }
0x84: {  	[hbm4b:s3+s2] =	stream.indirect_vreg.scatter [tilespmem:s0], [sflag:$0x1], $0x80, v4, vm0, $0xb8;
	[tilespmem:$0x18080] =	vst v63  }
0x85: {  	s9 =	rddreg [dreg:$0x1c];
	v3 =	vadd.s32 v1, v3  }
0x86: {  	[hbm4b:s4+s2] =	stream.indirect_vreg.scatter [tilespmem:s9], [sflag:$0x1], $0x80, v4, vm0, $0xb8;
	[tilespmem:$0x18080] =	vst v63  }
0x87: {  	s9 =	simm.s32 $0xD080  }
0x88: {  	[hbm4b:s5+s2] =	stream.indirect_vreg.scatter [tilespmem:s9], [sflag:$0x1], $0x80, v4, vm0, $0xb8;
	[tilespmem:$0x18080] =	vst v63  }
0x89: {  	_ = 	snop  }
0x8a: {  	[hbm4b:s3+s2] =	stream.indirect_vreg.scatter [tilespmem:s10], [sflag:$0x1], $0x80, v3, vm0, $0xb8;
	[tilespmem:$0x18080] =	vst v63  }
0x8b: {  	_ = 	snop  }
0x8c: {  	[hbm4b:s4+s2] =	stream.indirect_vreg.scatter [tilespmem:s11], [sflag:$0x1], $0x80, v3, vm0, $0xb8;
	[tilespmem:$0x18080] =	vst v63  }
0x8d: {  	_ = 	snop  }
0x8e: {  	[hbm4b:s5+s2] =	stream.indirect_vreg.scatter [tilespmem:s12], [sflag:$0x1], $0x80, v3, vm0, $0xb8;
	[tilespmem:$0x18080] =	vst v63  }
0x8f: {  	v3 =	vld [tilespmem:$0x50];
	_ =	sdelay $0x4  }
0x90: {  	v61 =	vshrl.u32 v3, $0x3  }
0x91: {  	v4 =	vmul.u32 $0x30, v61  }
0x92: {  	v3 =	vand.u32 $0x7, v3  }
0x93: {  	v3 =	vor.u32 v3, v4  }
0x94: {  	v4 =	vperm.xlane v3, v0;
	_ =	sdelay $0x1  }
0x95: {  	v4 =	vadd.s32 v1, v4;
	_ =	sdelay $0x3  }
0x96: {  	v3 =	vperm.xlane v3, v2  }
0x97: {  	[hbm4b:s3+s2] =	stream.indirect_vreg.scatter [tilespmem:s13], [sflag:$0x1], $0x80, v4, vm0, $0xb8;
	[tilespmem:$0x18080] =	vst v63  }
0x98: {  	v3 =	vadd.s32 v1, v3  }
0x99: {  	[hbm4b:s4+s2] =	stream.indirect_vreg.scatter [tilespmem:s14], [sflag:$0x1], $0x80, v4, vm0, $0xb8;
	[tilespmem:$0x18080] =	vst v63  }
0x9a: {  	_ = 	snop  }
0x9b: {  	[hbm4b:s5+s2] =	stream.indirect_vreg.scatter [tilespmem:s15], [sflag:$0x1], $0x80, v4, vm0, $0xb8;
	[tilespmem:$0x18080] =	vst v63  }
0x9c: {  	_ = 	snop  }
0x9d: {  	[hbm4b:s3+s2] =	stream.indirect_vreg.scatter [tilespmem:s16], [sflag:$0x1], $0x80, v3, vm0, $0xb8;
	[tilespmem:$0x18080] =	vst v63  }
0x9e: {  	_ = 	snop  }
0x9f: {  	[hbm4b:s4+s2] =	stream.indirect_vreg.scatter [tilespmem:s17], [sflag:$0x1], $0x80, v3, vm0, $0xb8;
	[tilespmem:$0x18080] =	vst v63  }
0xa0: {  	_ = 	snop  }
0xa1: {  	[hbm4b:s5+s2] =	stream.indirect_vreg.scatter [tilespmem:s18], [sflag:$0x1], $0x80, v3, vm0, $0xb8;
	[tilespmem:$0x18080] =	vst v63  }
0xa2: {  	v3 =	vld [tilespmem:$0x60];
	_ =	sdelay $0x4  }
0xa3: {  	v62 =	vshrl.u32 v3, $0x3  }
0xa4: {  	v4 =	vmul.u32 $0x30, v62  }
0xa5: {  	v3 =	vand.u32 $0x7, v3  }
0xa6: {  	v3 =	vor.u32 v3, v4  }
0xa7: {  	v4 =	vperm.xlane v3, v0;
	_ =	sdelay $0x1  }
0xa8: {  	v4 =	vadd.s32 v1, v4;
	_ =	sdelay $0x3  }
0xa9: {  	v3 =	vperm.xlane v3, v2  }
0xaa: {  	[hbm4b:s3+s2] =	stream.indirect_vreg.scatter [tilespmem:s19], [sflag:$0x1], $0x80, v4, vm0, $0xb8;
	[tilespmem:$0x18080] =	vst v63  }
0xab: {  	v3 =	vadd.s32 v1, v3  }
0xac: {  	[hbm4b:s4+s2] =	stream.indirect_vreg.scatter [tilespmem:s20], [sflag:$0x1], $0x80, v4, vm0, $0xb8;
	[tilespmem:$0x18080] =	vst v63  }
0xad: {  	_ = 	snop  }
0xae: {  	[hbm4b:s5+s2] =	stream.indirect_vreg.scatter [tilespmem:s21], [sflag:$0x1], $0x80, v4, vm0, $0xb8;
	[tilespmem:$0x18080] =	vst v63  }
0xaf: {  	_ = 	snop  }
0xb0: {  	[hbm4b:s3+s2] =	stream.indirect_vreg.scatter [tilespmem:s22], [sflag:$0x1], $0x80, v3, vm0, $0xb8;
	[tilespmem:$0x18080] =	vst v63  }
0xb1: {  	_ = 	snop  }
0xb2: {  	[hbm4b:s4+s2] =	stream.indirect_vreg.scatter [tilespmem:s23], [sflag:$0x1], $0x80, v3, vm0, $0xb8;
	[tilespmem:$0x18080] =	vst v63  }
0xb3: {  	_ = 	snop  }
0xb4: {  	[hbm4b:s5+s2] =	stream.indirect_vreg.scatter [tilespmem:s24], [sflag:$0x1], $0x80, v3, vm0, $0xb8;
	[tilespmem:$0x18080] =	vst v63  }
0xb5: {  	v3 =	vld [tilespmem:$0x70];
	_ =	sdelay $0x4  }
0xb6: {  	v63 =	vshrl.u32 v3, $0x3  }
0xb7: {  	v4 =	vmul.u32 $0x30, v63  }
0xb8: {  	v3 =	vand.u32 $0x7, v3  }
0xb9: {  	v3 =	vor.u32 v3, v4  }
0xba: {  	v4 =	vperm.xlane v3, v0;
	_ =	sdelay $0x1  }
0xbb: {  	v4 =	vadd.s32 v1, v4;
	_ =	sdelay $0x3  }
0xbc: {  	v3 =	vperm.xlane v3, v2  }
0xbd: {  	[hbm4b:s3+s2] =	stream.indirect_vreg.scatter [tilespmem:s25], [sflag:$0x1], $0x80, v4, vm0, $0xb8;
	[tilespmem:$0x18080] =	vst v63  }
0xbe: {  	v3 =	vadd.s32 v1, v3  }
0xbf: {  	[hbm4b:s4+s2] =	stream.indirect_vreg.scatter [tilespmem:s26], [sflag:$0x1], $0x80, v4, vm0, $0xb8;
	[tilespmem:$0x18080] =	vst v63  }
0xc0: {  	_ = 	snop  }
0xc1: {  	[hbm4b:s5+s2] =	stream.indirect_vreg.scatter [tilespmem:s28], [sflag:$0x1], $0x80, v4, vm0, $0xb8;
	[tilespmem:$0x18080] =	vst v63  }
0xc2: {  	_ = 	snop  }
0xc3: {  	[hbm4b:s3+s2] =	stream.indirect_vreg.scatter [tilespmem:s29], [sflag:$0x1], $0x80, v3, vm0, $0xb8;
	[tilespmem:$0x18080] =	vst v63  }
0xc4: {  	p0 =	sne.s32 s6, $0x1  }
0xc5: {  	[hbm4b:s4+s2] =	stream.indirect_vreg.scatter [tilespmem:s30], [sflag:$0x1], $0x80, v3, vm0, $0xb8;
	[tilespmem:$0x18080] =	vst v63  }
.Ltmp0:
0xc6: {  	_ = 	snop;
	(pc) =	sbr.rel @p0 .LBB2_1-.Ltmp0, $4  }
0xc7: {  	[hbm4b:s5+s2] =	stream.indirect_vreg.scatter [tilespmem:s31], [sflag:$0x1], $0x80, v3, vm0, $0xb8;
	[tilespmem:$0x18080] =	vst v63  }
0xc8: {  	_ =	swait.ge [sflag:s1], $0x18000  }
0xc9: {  	[sflag:s1] =	ssyncset.done $0x0  }
0xca: {  	s6 =	sadd.s32 $0xFFFFFFFF, s6;
	[sflag:s1] =	ssyncadd.s32 $0xFFFE8000  }
0xcb: {  	_ =	sfence.sel $0x180000  }
0xcc: {  	[bflag:$0x0] =	sbarrier.arrive $0xFFFF  }
0xcd: {  	_ =	strace $0x90000047  }
0xce: {  	s0 =	stileid.u32;
	[bflag:$0x2] =	sbarrier.arrive $0xFFFF  }
0xcf: {  	p0 =	sne.s32 s0, $0x0;
	s0 =	rddreg [dreg:$0x1]  }
0xd0: {  	s0 =	sadd.s32 @!p0 $0x100000, s0  }
0xd1: {  	[sflag:s0] =	ssyncadd.tile.s32 @!p0 $0x1;
	_ =	shalt  }
.Lfunc_end2:
_tile_overlayer_lowered:
.L_overlay_start_2:
0xd2: {  	(tag) =	ssettag $0x2  }
0xd3: {  	s0 =	rddreg [dreg:$0x0];
	s2 =	stileid.u32  }
0xd4: {  	s1 =	rddreg [dreg:$0x1];
	p0 =	sne.s32 s2, $0x0  }
0xd5: {  	s3 =	rddreg [dreg:$0x2];
	[bflag:$0x3] =	sbarrier.arrive $0xFFFF;
	s2 =	simm.s32 @!p0 $0x1C02  }
0xd6: {  	[timem:s3], [sflag:s2] =	dma.local @!p0 [hbm:s0], s1  }
0xd7: {  	s0 =	simm.s32 @!p0 $0x2  }
0xd8: {  	_ =	swait.ge @!p0 [sflag:s0], s1  }
0xd9: {  	s1 =	ssub.s32 @!p0 $0x0, s1;
	[sflag:s0] =	ssyncset.done @!p0 $0x0  }
0xda: {  	[sflag:s0] =	ssyncadd.s32 @!p0 s1  }
0xdb: {  	[bflag:$0x3] =	sbarrier.arrive $0xFFFF  }
0xdc: {  	_ =	shalt  }

</sc_bundles>
